<compile_context>
chip_gen: v7x
topology: tpu7x:2x2x1
jax: 0.10.2.dev20260603
libtpu: 0.0.44.dev20260713+nightly
codegen_flags: <defaults>
</compile_context>

<pallas_src>
import functools

import jax
import jax.numpy as jnp
from jax import lax
from jax.experimental import pallas as pl
from jax.experimental.pallas import tpu as pltpu
from jax.experimental.pallas import tpu_sc as plsc

_BEV_EXTENT = (-32.0, -32.0, 32.0, 32.0)
_EPS = 1e-8
_Q = 512


def _main_body(a0_ref, a1_ref, pc0T_ref, pc1T_ref, tn0_ref, tn1_ref,
               fwt_ref, bwt_ref, out_ref, idx_ref):
    g = pl.program_id(0)
    nb = fwt_ref.shape[0]
    is_fw = g < nb

    src = jnp.where(is_fw, a0_ref[0], a1_ref[0])
    tT = jnp.where(is_fw, pc1T_ref[0], pc0T_ref[0])
    tn = jnp.where(is_fw, tn1_ref[0], tn0_ref[0])

    b = lax.rem(g, nb)
    trafo = jnp.where(is_fw, fwt_ref[b], bwt_ref[b])
    rot = trafo[:3, :3]
    trans = trafo[:3, 3]

    x0, y0, x1, y1 = _BEV_EXTENT
    n = src.shape[0]
    acc = [jnp.float32(0.0)] * 7

    for c in range(n // _Q):
        sl = slice(c * _Q, (c + 1) * _Q)
        blk = src[sl, :]
        p = blk[:, 0:3]
        fsrc = blk[:, 3:6]
        w = p + fsrc

        gram = lax.dot_general(w, tT, (((1,), (0,)), ((), ())),
                               preferred_element_type=jnp.float32)
        u = tn - 2.0 * gram
        umin = jnp.min(u, axis=1, keepdims=True)
        wn = jnp.sum(w * w, axis=1, keepdims=True)
        nn_d2 = jnp.maximum(wn + umin, 0.0)
        iota = lax.broadcasted_iota(jnp.int32, u.shape, 1)
        nn = jnp.min(jnp.where(u == umin, iota, n), axis=1,
                     keepdims=True)
        idx_ref[0, sl, :] = nn + g * n

        wx = w[:, 0:1]
        wy = w[:, 1:2]
        in_bev = ((wx >= x0) & (wx <= x1) & (wy >= y0) & (wy <= y1)
                  ).astype(jnp.float32)

        rp = lax.dot_general(p, rot, (((1,), (1,)), ((), ())),
                             preferred_element_type=jnp.float32)
        trafo_flow = rp + trans[None, :] - p
        serr = blk[:, 6:9] - trafo_flow
        serr2 = jnp.sum(serr * serr, axis=1, keepdims=True)
        sn = blk[:, 9:10]

        dis = blk[:, 10:11]
        valid = (dis == dis).astype(jnp.float32)

        acc[0] += jnp.sum(in_bev * nn_d2)
        acc[1] += jnp.sum(in_bev)
        acc[3] += jnp.sum(sn * serr2)
        acc[4] += jnp.sum(sn)
        acc[5] += jnp.sum(jnp.where(dis == dis, dis, 0.0))
        acc[6] += jnp.sum(valid)

    eye = jnp.eye(4, dtype=jnp.float32)
    sse = jnp.float32(0.0)
    for bb in range(nb):
        comp = jnp.dot(fwt_ref[bb], bwt_ref[bb],
                       preferred_element_type=jnp.float32)
        dlt = comp - eye
        sse = sse + jnp.sum(dlt * dlt)
    sse = sse * (g == 0).astype(jnp.float32)

    slots = lax.broadcasted_iota(jnp.int32, (1, 1, 8), 2)
    vals = acc + [sse]
    row = jnp.zeros((1, 1, 8), jnp.float32)
    for k, v in enumerate(vals):
        row = row + jnp.where(slots == k, v, 0.0)
    out_ref[...] = row


def _opp_body(a0_ref, a1_ref, fnn_ref, out_ref):
    g = pl.program_id(0)
    nb = pl.num_programs(0) // 2
    is_fw = g < nb

    src = jnp.where(is_fw, a0_ref[0], a1_ref[0])
    p = src[:, 0:3]
    fsrc = src[:, 3:6]
    w = p + fsrc
    x0, y0, x1, y1 = _BEV_EXTENT
    wx = w[:, 0:1]
    wy = w[:, 1:2]
    in_bev = ((wx >= x0) & (wx <= x1) & (wy >= y0) & (wy <= y1)
              ).astype(jnp.float32)
    opp = fsrc + fnn_ref[0][:, 0:3]
    opp_err = jnp.sum(opp * opp, axis=1, keepdims=True)
    val = jnp.sum(in_bev * opp_err)
    slots = lax.broadcasted_iota(jnp.int32, (1, 1, 8), 2)
    out_ref[...] = jnp.where(slots == 0, val, 0.0)


def _sc_gather(table, idx):
    gn, d = table.shape
    info = plsc.get_sparse_core_info()
    nw = info.num_cores * info.num_subcores
    b_per_w = gn // nw
    mesh = plsc.VectorSubcoreMesh(core_axis_name="c", subcore_axis_name="s")

    @functools.partial(
        pl.kernel, mesh=mesh,
        out_type=jax.ShapeDtypeStruct((gn, d), jnp.float32),
        scratch_types=[
            pltpu.VMEM((b_per_w,), jnp.int32),
            pltpu.VMEM((b_per_w, d), jnp.float32),
            pltpu.SemaphoreType.DMA,
        ],
    )
    def k(table_hbm, idx_hbm, out_hbm, idx_v, rows_v, sem):
        wid = lax.axis_index("s") * info.num_cores + lax.axis_index("c")
        base = wid * b_per_w
        pltpu.sync_copy(idx_hbm.at[pl.ds(base, b_per_w)], idx_v)
        pltpu.async_copy(table_hbm.at[idx_v], rows_v, sem).wait()
        pltpu.sync_copy(rows_v, out_hbm.at[pl.ds(base, b_per_w)])

    return k(table, idx)


def kernel(pc0, pc1, fw_aggregated_flow, bw_aggregated_flow, fw_static_flow,
           bw_static_flow, fw_static_aggr_trafo, bw_static_aggr_trafo,
           fw_staticness, bw_staticness, fw_disappearing, bw_disappearing):
    B, N, _ = pc0.shape
    G = 2 * B

    a0 = jnp.concatenate(
        [pc0, fw_aggregated_flow, fw_static_flow,
         fw_staticness[..., None], fw_disappearing[..., None]], axis=-1)
    a1 = jnp.concatenate(
        [pc1, bw_aggregated_flow, bw_static_flow,
         bw_staticness[..., None], bw_disappearing[..., None]], axis=-1)

    pc0T = pc0.transpose(0, 2, 1)
    pc1T = pc1.transpose(0, 2, 1)
    tn0 = jnp.sum(pc0 * pc0, axis=-1)[:, None, :]
    tn1 = jnp.sum(pc1 * pc1, axis=-1)[:, None, :]

    bspec = lambda shape: pl.BlockSpec(shape, lambda g: (lax.rem(g, B),)
                                       + (0,) * (len(shape) - 1))

    out, idx = pl.pallas_call(
        _main_body,
        grid=(G,),
        in_specs=[
            bspec((1, N, 11)),
            bspec((1, N, 11)),
            bspec((1, 3, N)),
            bspec((1, 3, N)),
            bspec((1, 1, N)),
            bspec((1, 1, N)),
            pl.BlockSpec((B, 4, 4), lambda g: (0, 0, 0)),
            pl.BlockSpec((B, 4, 4), lambda g: (0, 0, 0)),
        ],
        out_specs=[
            pl.BlockSpec((1, 1, 8), lambda g: (g, 0, 0)),
            pl.BlockSpec((1, N, 1), lambda g: (g, 0, 0)),
        ],
        out_shape=[
            jax.ShapeDtypeStruct((G, 1, 8), jnp.float32),
            jax.ShapeDtypeStruct((G, N, 1), jnp.int32),
        ],
        compiler_params=pltpu.CompilerParams(
            dimension_semantics=("arbitrary",)),
    )(a0, a1, pc0T, pc1T, tn0, tn1,
      fw_static_aggr_trafo, bw_static_aggr_trafo)

    ftgt = jnp.concatenate([bw_aggregated_flow, fw_aggregated_flow], axis=0)
    table = jnp.concatenate(
        [ftgt, jnp.zeros((G, N, 125), jnp.float32)], axis=-1).reshape(G * N, 128)
    fnn = _sc_gather(table, idx.reshape(G * N)).reshape(G, N, 128)

    opp = pl.pallas_call(
        _opp_body,
        grid=(G,),
        in_specs=[
            bspec((1, N, 11)),
            bspec((1, N, 11)),
            pl.BlockSpec((1, N, 128), lambda g: (g, 0, 0)),
        ],
        out_specs=pl.BlockSpec((1, 1, 8), lambda g: (g, 0, 0)),
        out_shape=jax.ShapeDtypeStruct((G, 1, 8), jnp.float32),
        compiler_params=pltpu.CompilerParams(
            dimension_semantics=("arbitrary",)),
    )(a0, a1, fnn)

    out = out.reshape(G, 8)
    opp = opp.reshape(G, 8)
    fw = out[:B]
    bw = out[B:]
    eps = jnp.float32(_EPS)

    def seg(rows, opp_rows):
        s = jnp.sum(rows, axis=0)
        den = s[1] + eps
        return s[0] / den, jnp.sum(opp_rows[:, 0]) / den, s[3] / (s[4] + eps)

    fw_fl, fw_opp, fw_static = seg(fw, opp[:B])
    bw_fl, bw_opp, bw_static = seg(bw, opp[B:])
    flow_loss = 0.5 * (fw_fl + bw_fl)
    opposite_flow_loss = 0.5 * (fw_opp + bw_opp)
    static_flow_loss = 0.5 * (fw_static + bw_static)
    occlusion_loss = jnp.sum(out[:, 5]) / (jnp.sum(out[:, 6]) + eps)
    trafo_loss = jnp.sum(out[:, 7]) / (B * 16.0)

    total = (static_flow_loss + trafo_loss + 0.1 * occlusion_loss
             + flow_loss + opposite_flow_loss)
    return total

# --- scband reference (transcript-rebuilt; emitter-appended) ---
"""Pipeline reference for scband-unsupervised-loss-10685878632585 (READ-ONLY COPY).

The authoritative reference and input builder live on the scoring server;
editing this copy changes nothing except your own understanding.
"""

import jax, jax.numpy as jnp
import numpy as np

BEV_EXTENT = (-32.0, -32.0, 32.0, 32.0)
STATIC_FLOW_PENALTY = 1.0
FW_BW_STATIC_TRAFO_PENALTY = 1.0
OCCLUSION_PENALTY = 0.1
KNN_LOSS_PENALTY = 1.0
OPPOSITE_FLOW_PENALTY = 1.0
EPS = 1e-8


def setup_inputs(seed: int = 0) -> dict:
    key = jax.random.key(seed)
    ks = jax.random.split(key, 12)
    B, N = 2, 4096
    pc0 = jax.random.normal(ks[0], (B, N, 3), dtype=jnp.float32) * jnp.array([10.0, 10.0, 1.0])
    pc1 = jax.random.normal(ks[1], (B, N, 3), dtype=jnp.float32) * jnp.array([10.0, 10.0, 1.0])
    eye = jnp.broadcast_to(jnp.eye(4, dtype=jnp.float32), (B, 4, 4))
    return {
        'pc0': pc0,
        'pc1': pc1,
        'fw_aggregated_flow': 0.5 * jax.random.normal(ks[2], (B, N, 3), dtype=jnp.float32),
        'bw_aggregated_flow': 0.5 * jax.random.normal(ks[3], (B, N, 3), dtype=jnp.float32),
        'fw_static_flow': 0.5 * jax.random.normal(ks[4], (B, N, 3), dtype=jnp.float32),
        'bw_static_flow': 0.5 * jax.random.normal(ks[5], (B, N, 3), dtype=jnp.float32),
        'fw_static_aggr_trafo': eye + 0.02 * jax.random.normal(ks[6], (B, 4, 4), dtype=jnp.float32),
        'bw_static_aggr_trafo': eye + 0.02 * jax.random.normal(ks[7], (B, 4, 4), dtype=jnp.float32),
        'fw_staticness': jax.random.uniform(ks[8], (B, N), dtype=jnp.float32),
        'bw_staticness': jax.random.uniform(ks[9], (B, N), dtype=jnp.float32),
        'fw_disappearing': jax.random.uniform(ks[10], (B, N), dtype=jnp.float32),
        'bw_disappearing': jax.random.uniform(ks[11], (B, N), dtype=jnp.float32),
    }


def _apply_trafo(T, pts):
    R = T[:, :3, :3]
    t = T[:, :3, 3]
    return jnp.einsum('bij,bnj->bni', R, pts) + t[:, None, :]


def _weighted_static_loss(static_flow, trafo, pc, staticness):
    trafo_flow = _apply_trafo(trafo, pc) - pc
    err = jnp.sum((static_flow - trafo_flow) ** 2, axis=-1)
    return jnp.sum(staticness * err) / (jnp.sum(staticness) + EPS)


def _occlusion_terms(disappearing):
    valid = jnp.logical_not(jnp.isnan(disappearing))
    vals = jnp.where(valid, disappearing, 0.0)
    return jnp.sum(vals), jnp.sum(valid.astype(jnp.float32))


def _knn_losses(pc_src, flow_src, pc_tgt, flow_tgt):
    warped = pc_src + flow_src
    d2 = (jnp.sum(warped ** 2, axis=-1)[:, :, None]
          + jnp.sum(pc_tgt ** 2, axis=-1)[:, None, :]
          - 2.0 * jnp.einsum('bnd,bmd->bnm', warped, pc_tgt))
    d2 = jnp.maximum(d2, 0.0)
    nn_d2 = jnp.min(d2, axis=2)
    nn_idx = jnp.argmin(d2, axis=2)
    x0, y0, x1, y1 = BEV_EXTENT
    in_bev = ((warped[..., 0] >= x0) & (warped[..., 0] <= x1)
              & (warped[..., 1] >= y0) & (warped[..., 1] <= y1)).astype(jnp.float32)
    flow_loss = jnp.sum(in_bev * nn_d2) / (jnp.sum(in_bev) + EPS)
    flow_tgt_at_nn = jnp.take_along_axis(flow_tgt, nn_idx[..., None], axis=1)
    opp_err = jnp.sum((flow_src + flow_tgt_at_nn) ** 2, axis=-1)
    opp_loss = jnp.sum(in_bev * opp_err) / (jnp.sum(in_bev) + EPS)
    return flow_loss, opp_loss


def reference(pc0, pc1, fw_aggregated_flow, bw_aggregated_flow, fw_static_flow,
              bw_static_flow, fw_static_aggr_trafo, bw_static_aggr_trafo,
              fw_staticness, bw_staticness, fw_disappearing, bw_disappearing):
    # static loss components (SymmetricStaticPointsLoss)
    static_flow_loss = 0.5 * (
        _weighted_static_loss(fw_static_flow, fw_static_aggr_trafo, pc0, fw_staticness)
        + _weighted_static_loss(bw_static_flow, bw_static_aggr_trafo, pc1, bw_staticness))
    comp = jnp.einsum('bij,bjk->bik', fw_static_aggr_trafo, bw_static_aggr_trafo)
    for_back_static_trafo_loss = jnp.mean((comp - jnp.eye(4, dtype=comp.dtype)) ** 2)
    total_loss = (STATIC_FLOW_PENALTY * static_flow_loss
                  + FW_BW_STATIC_TRAFO_PENALTY * for_back_static_trafo_loss)
    # occlusion loss components
    s_fw, c_fw = _occlusion_terms(fw_disappearing)
    s_bw, c_bw = _occlusion_terms(bw_disappearing)
    occlusion_loss = (s_fw + s_bw) / (c_fw + c_bw + EPS)
    total_loss = total_loss + OCCLUSION_PENALTY * occlusion_loss
    # knn loss components on aggregated flow (cross_entropy_penalty == 0 ->
    # eval_flow_types == {'aggregated'})
    fw_fl, fw_opp = _knn_losses(pc0, fw_aggregated_flow, pc1, bw_aggregated_flow)
    bw_fl, bw_opp = _knn_losses(pc1, bw_aggregated_flow, pc0, fw_aggregated_flow)
    flow_loss = 0.5 * (fw_fl + bw_fl)
    opposite_flow_loss = 0.5 * (fw_opp + bw_opp)
    total_loss = (total_loss + KNN_LOSS_PENALTY * flow_loss
                  + OPPOSITE_FLOW_PENALTY * opposite_flow_loss)
    return total_loss

if __name__ == "__main__":
    import jax
    _d = setup_inputs()
    print(jax.jit(kernel)(*tuple(_d.values())))

</pallas_src>

<mosaic_0001>
#map = affine_map<(d0, d1) -> (0, 0)>
#map1 = affine_map<(d0, d1) -> (0)>
module attributes {stable_mosaic.version = 14 : i64} {
  func.func @k(%arg0: i32, %arg1: i32, %arg2: memref<16384x128xf32, #tpu.memory_space<hbm>>, %arg3: memref<16384xi32, #tpu.memory_space<hbm>>, %arg4: memref<16384x128xf32, #tpu.memory_space<hbm>>, %arg5: memref<512xi32, #tpu.memory_space<vmem>>, %arg6: memref<512x128xf32, #tpu.memory_space<vmem>>, %arg7: memref<!tpu.dma_semaphore, #tpu.memory_space<semaphore_mem>>) attributes {dimension_semantics = [#tpu.dimension_semantics<core_parallel>, #tpu.dimension_semantics<subcore_parallel>], iteration_bounds = array<i64: 2, 16>, scalar_prefetch = 0 : i64, scratch_operands = 3 : i64, tpu.core_type = #tpu.core_type<sc_vector_subcore>, window_params = [{transform_indices = #map}, {transform_indices = #map1}, {transform_indices = #map}]} {
    %mul3A = arith.constant 2 : i32
    %mul3A_0 = arith.muli %arg1, %mul3A : i32
    %add3A = arith.addi %mul3A_0, %arg0 : i32
    %mul3A_1 = arith.constant 512 : i32
    %mul3A_2 = arith.muli %add3A, %mul3A_1 : i32
    "tpu.region"() ({
      %run_scoped3A = tpu.sem_alloc : memref<!tpu.dma_semaphore, #tpu.memory_space<semaphore_mem>>
      %dma_start3A_7 = tpu.memref_slice %arg3[%mul3A_2] : memref<16384xi32, #tpu.memory_space<hbm>> -> memref<512xi32, #tpu.memory_space<hbm>>
      %dma_start3A_8 = tpu.memref_slice %arg3[%mul3A_2] : memref<16384xi32, #tpu.memory_space<hbm>> -> memref<512xi32, #tpu.memory_space<hbm>>
      tpu.enqueue_dma source(%dma_start3A_8 : memref<512xi32, #tpu.memory_space<hbm>>) target(%arg5 : memref<512xi32, #tpu.memory_space<vmem>>) target_semaphore(%run_scoped3A : memref<!tpu.dma_semaphore, #tpu.memory_space<semaphore_mem>>)
      %dma_wait3A_9 = tpu.memref_slice %arg3[%mul3A_2] : memref<16384xi32, #tpu.memory_space<hbm>> -> memref<512xi32, #tpu.memory_space<hbm>>
      %dma_wait3A_10 = tpu.memref_slice %arg3[%mul3A_2] : memref<16384xi32, #tpu.memory_space<hbm>> -> memref<512xi32, #tpu.memory_space<hbm>>
      tpu.wait_dma2 semaphore(%run_scoped3A : memref<!tpu.dma_semaphore, #tpu.memory_space<semaphore_mem>>) src(%dma_wait3A_10 : memref<512xi32, #tpu.memory_space<hbm>>) dst(%arg5 : memref<512xi32, #tpu.memory_space<vmem>>)
      tpu.yield
    }) : () -> ()
    %dma_start3A = arith.constant 0 : i32
    %dma_start3A_3 = arith.constant 0 : i32
    %dma_start3A_4 = tpu.memref_slice %arg2[%dma_start3A, %dma_start3A_3] : memref<16384x128xf32, #tpu.memory_space<hbm>> -> memref<16384x128xf32, #tpu.memory_space<hbm>>
    tpu.enqueue_indirect_dma source(%dma_start3A_4 : memref<16384x128xf32, #tpu.memory_space<hbm>>) target(%arg6 : memref<512x128xf32, #tpu.memory_space<vmem>>) offsets(%arg5 : memref<512xi32, #tpu.memory_space<vmem>>) semaphore(%arg7 : memref<!tpu.dma_semaphore, #tpu.memory_space<semaphore_mem>>)
    %dma_wait3A = arith.constant 0 : i32
    %dma_wait3A_5 = arith.constant 0 : i32
    %dma_wait3A_6 = tpu.memref_slice %arg2[%dma_wait3A, %dma_wait3A_5] : memref<16384x128xf32, #tpu.memory_space<hbm>> -> memref<16384x128xf32, #tpu.memory_space<hbm>>
    tpu.wait_indirect_dma semaphore(%arg7 : memref<!tpu.dma_semaphore, #tpu.memory_space<semaphore_mem>>) src(%dma_wait3A_6 : memref<16384x128xf32, #tpu.memory_space<hbm>>) dst(%arg6 : memref<512x128xf32, #tpu.memory_space<vmem>>)
    "tpu.region"() ({
      %run_scoped3A = tpu.sem_alloc : memref<!tpu.dma_semaphore, #tpu.memory_space<semaphore_mem>>
      %dma_start3A_7 = arith.constant 0 : i32
      %dma_start3A_8 = tpu.memref_slice %arg4[%mul3A_2, %dma_start3A_7] : memref<16384x128xf32, #tpu.memory_space<hbm>> -> memref<512x128xf32, #tpu.memory_space<hbm>>
      %dma_start3A_9 = arith.constant 0 : i32
      %dma_start3A_10 = tpu.memref_slice %arg4[%mul3A_2, %dma_start3A_9] : memref<16384x128xf32, #tpu.memory_space<hbm>> -> memref<512x128xf32, #tpu.memory_space<hbm>>
      tpu.enqueue_dma source(%arg6 : memref<512x128xf32, #tpu.memory_space<vmem>>) target(%dma_start3A_10 : memref<512x128xf32, #tpu.memory_space<hbm>>) target_semaphore(%run_scoped3A : memref<!tpu.dma_semaphore, #tpu.memory_space<semaphore_mem>>)
      %dma_wait3A_11 = arith.constant 0 : i32
      %dma_wait3A_12 = tpu.memref_slice %arg4[%mul3A_2, %dma_wait3A_11] : memref<16384x128xf32, #tpu.memory_space<hbm>> -> memref<512x128xf32, #tpu.memory_space<hbm>>
      %dma_wait3A_13 = arith.constant 0 : i32
      %dma_wait3A_14 = tpu.memref_slice %arg4[%mul3A_2, %dma_wait3A_13] : memref<16384x128xf32, #tpu.memory_space<hbm>> -> memref<512x128xf32, #tpu.memory_space<hbm>>
      tpu.wait_dma2 semaphore(%run_scoped3A : memref<!tpu.dma_semaphore, #tpu.memory_space<semaphore_mem>>) src(%arg6 : memref<512x128xf32, #tpu.memory_space<vmem>>) dst(%dma_wait3A_14 : memref<512x128xf32, #tpu.memory_space<hbm>>)
      tpu.yield
    }) : () -> ()
    return
  }
}

module attributes {stable_mosaic.version = 14 : i64} {
  func.func @_main_body(%arg0: i32, %arg1: memref<1x4096x11xf32, #tpu.memory_space<vmem>>, %arg2: memref<1x4096x11xf32, #tpu.memory_space<vmem>>, %arg3: memref<1x3x4096xf32, #tpu.memory_space<vmem>>, %arg4: memref<1x3x4096xf32, #tpu.memory_space<vmem>>, %arg5: memref<1x1x4096xf32, #tpu.memory_space<vmem>>, %arg6: memref<1x1x4096xf32, #tpu.memory_space<vmem>>, %arg7: memref<2x4x4xf32, #tpu.memory_space<vmem>>, %arg8: memref<2x4x4xf32, #tpu.memory_space<vmem>>, %arg9: memref<1x1x8xf32, #tpu.memory_space<vmem>>, %arg10: memref<1x4096x1xi32, #tpu.memory_space<vmem>>) attributes {dimension_semantics = [#tpu.dimension_semantics<arbitrary>], iteration_bounds = array<i64: 4>, scalar_prefetch = 0 : i64, scratch_operands = 0 : i64, tpu.core_type = #tpu.core_type<tc>, window_params = [{transform_indices = @transform_0, window_bounds = array<i64: 1, 4096, 11>}, {transform_indices = @transform_1, window_bounds = array<i64: 1, 4096, 11>}, {transform_indices = @transform_2, window_bounds = array<i64: 1, 3, 4096>}, {transform_indices = @transform_3, window_bounds = array<i64: 1, 3, 4096>}, {transform_indices = @transform_4, window_bounds = array<i64: 1, 1, 4096>}, {transform_indices = @transform_5, window_bounds = array<i64: 1, 1, 4096>}, {pipeline_mode = #tpu.pipeline_mode<synchronous>, transform_indices = @transform_6, window_bounds = array<i64: 2, 4, 4>}, {pipeline_mode = #tpu.pipeline_mode<synchronous>, transform_indices = @transform_7, window_bounds = array<i64: 2, 4, 4>}, {transform_indices = @transform_8, window_bounds = array<i64: 1, 1, 8>}, {transform_indices = @transform_9, window_bounds = array<i64: 1, 4096, 1>}]} {
    %lt3A = arith.constant 2 : i32
    %lt3A_0 = arith.cmpi slt, %arg0, %lt3A : i32
    %get3A = arith.constant 0 : index
    %get3A_1 = arith.constant 0 : index
    %get3A_2 = arith.constant 0 : index
    %get3A_3 = vector.load %arg1[%get3A, %get3A_1, %get3A_2] : memref<1x4096x11xf32, #tpu.memory_space<vmem>>, vector<1x4096x11xf32>
    %get3A_4 = vector.shape_cast %get3A_3 : vector<1x4096x11xf32> to vector<4096x11xf32>
    %get3A_5 = arith.constant 0 : index
    %get3A_6 = arith.constant 0 : index
    %get3A_7 = arith.constant 0 : index
    %get3A_8 = vector.load %arg2[%get3A_5, %get3A_6, %get3A_7] : memref<1x4096x11xf32, #tpu.memory_space<vmem>>, vector<1x4096x11xf32>
    %get3A_9 = vector.shape_cast %get3A_8 : vector<1x4096x11xf32> to vector<4096x11xf32>
    %select_n3A = arith.select %lt3A_0, %get3A_4, %get3A_9 : vector<4096x11xf32>
    %get3A_10 = arith.constant 0 : index
    %get3A_11 = arith.constant 0 : index
    %get3A_12 = arith.constant 0 : index
    %get3A_13 = vector.load %arg4[%get3A_10, %get3A_11, %get3A_12] : memref<1x3x4096xf32, #tpu.memory_space<vmem>>, vector<1x3x4096xf32>
    %get3A_14 = vector.shape_cast %get3A_13 : vector<1x3x4096xf32> to vector<3x4096xf32>
    %get3A_15 = arith.constant 0 : index
    %get3A_16 = arith.constant 0 : index
    %get3A_17 = arith.constant 0 : index
    %get3A_18 = vector.load %arg3[%get3A_15, %get3A_16, %get3A_17] : memref<1x3x4096xf32, #tpu.memory_space<vmem>>, vector<1x3x4096xf32>
    %get3A_19 = vector.shape_cast %get3A_18 : vector<1x3x4096xf32> to vector<3x4096xf32>
    %select_n3A_20 = arith.select %lt3A_0, %get3A_14, %get3A_19 : vector<3x4096xf32>
    %get3A_21 = arith.constant 0 : index
    %get3A_22 = arith.constant 0 : index
    %get3A_23 = arith.constant 0 : index
    %get3A_24 = vector.load %arg6[%get3A_21, %get3A_22, %get3A_23] : memref<1x1x4096xf32, #tpu.memory_space<vmem>>, vector<1x1x4096xf32>
    %get3A_25 = vector.shape_cast %get3A_24 : vector<1x1x4096xf32> to vector<1x4096xf32>
    %get3A_26 = arith.constant 0 : index
    %get3A_27 = arith.constant 0 : index
    %get3A_28 = arith.constant 0 : index
    %get3A_29 = vector.load %arg5[%get3A_26, %get3A_27, %get3A_28] : memref<1x1x4096xf32, #tpu.memory_space<vmem>>, vector<1x1x4096xf32>
    %get3A_30 = vector.shape_cast %get3A_29 : vector<1x1x4096xf32> to vector<1x4096xf32>
    %select_n3A_31 = arith.select %lt3A_0, %get3A_25, %get3A_30 : vector<1x4096xf32>
    %rem3A = arith.constant 2 : i32
    %rem3A_32 = arith.remsi %arg0, %rem3A : i32
    %get3A_33 = arith.index_cast %rem3A_32 : i32 to index
    %get3A_34 = arith.constant 0 : index
    %get3A_35 = arith.constant 0 : index
    %get3A_36 = vector.load %arg7[%get3A_33, %get3A_34, %get3A_35] : memref<2x4x4xf32, #tpu.memory_space<vmem>>, vector<1x4x4xf32>
    %get3A_37 = vector.shape_cast %get3A_36 : vector<1x4x4xf32> to vector<4x4xf32>
    %get3A_38 = arith.index_cast %rem3A_32 : i32 to index
    %get3A_39 = arith.constant 0 : index
    %get3A_40 = arith.constant 0 : index
    %get3A_41 = vector.load %arg8[%get3A_38, %get3A_39, %get3A_40] : memref<2x4x4xf32, #tpu.memory_space<vmem>>, vector<1x4x4xf32>
    %get3A_42 = vector.shape_cast %get3A_41 : vector<1x4x4xf32> to vector<4x4xf32>
    %select_n3A_43 = arith.select %lt3A_0, %get3A_37, %get3A_42 : vector<4x4xf32>
    %slice3A = vector.extract_strided_slice %select_n3A_43 {offsets = [0, 0], sizes = [3, 3], strides = [1, 1]} : vector<4x4xf32> to vector<3x3xf32>
    %slice3A_44 = vector.extract_strided_slice %select_n3A_43 {offsets = [0, 3], sizes = [3, 1], strides = [1, 1]} : vector<4x4xf32> to vector<3x1xf32>
    %squeeze3A = vector.shape_cast %slice3A_44 : vector<3x1xf32> to vector<3xf32>
    %slice3A_45 = vector.extract_strided_slice %select_n3A {offsets = [0, 0], sizes = [512, 11], strides = [1, 1]} : vector<4096x11xf32> to vector<512x11xf32>
    %slice3A_46 = vector.extract_strided_slice %slice3A_45 {offsets = [0, 0], sizes = [512, 3], strides = [1, 1]} : vector<512x11xf32> to vector<512x3xf32>
    %slice3A_47 = vector.extract_strided_slice %slice3A_45 {offsets = [0, 3], sizes = [512, 3], strides = [1, 1]} : vector<512x11xf32> to vector<512x3xf32>
    %add3A = arith.addf %slice3A_46, %slice3A_47 : vector<512x3xf32>
    %dot_general3A = arith.constant dense<0.000000e+00> : vector<512x4096xf32>
    %dot_general3A_48 = tpu.matmul %add3A, %select_n3A_20, %dot_general3A {dimension_numbers = #tpu.dot_dimension_numbers<[1], [0], [0], [1], [0, 0, 1, 1], [], []>, transpose_lhs_hint = false} : vector<512x3xf32>, vector<3x4096xf32>, vector<512x4096xf32> -> vector<512x4096xf32>
    %mul3A = arith.constant 2.000000e+00 : f32
    %mul3A_49 = vector.broadcast %mul3A : f32 to vector<512x4096xf32>
    %mul3A_50 = arith.mulf %mul3A_49, %dot_general3A_48 : vector<512x4096xf32>
    %sub3A = vector.broadcast %select_n3A_31 : vector<1x4096xf32> to vector<512x4096xf32>
    %sub3A_51 = arith.subf %sub3A, %mul3A_50 : vector<512x4096xf32>
    %reduce_min3A = arith.constant dense<0x7F800000> : vector<512xf32>
    %reduce_min3A_52 = vector.multi_reduction <minimumf>, %sub3A_51, %reduce_min3A [1] : vector<512x4096xf32> to vector<512xf32>
    %broadcast_in_dim3A = vector.shape_cast %reduce_min3A_52 : vector<512xf32> to vector<512x1xf32>
    %mul3A_53 = arith.mulf %add3A, %add3A : vector<512x3xf32>
    %reduce_sum3A = arith.constant dense<0.000000e+00> : vector<512xf32>
    %reduce_sum3A_54 = vector.multi_reduction <add>, %mul3A_53, %reduce_sum3A [1] : vector<512x3xf32> to vector<512xf32>
    %broadcast_in_dim3A_55 = vector.shape_cast %reduce_sum3A_54 : vector<512xf32> to vector<512x1xf32>
    %add3A_56 = arith.addf %broadcast_in_dim3A_55, %broadcast_in_dim3A : vector<512x1xf32>
    %max3A = arith.constant 0.000000e+00 : f32
    %max3A_57 = vector.broadcast %max3A : f32 to vector<512x1xf32>
    %max3A_58 = arith.maximumf %add3A_56, %max3A_57 : vector<512x1xf32>
    %iota3A = tpu.iota {dimensions = array<i32: 1>} : vector<512x4096xi32>
    %eq3A = vector.broadcast %broadcast_in_dim3A : vector<512x1xf32> to vector<512x4096xf32>
    %eq3A_59 = arith.cmpf oeq, %sub3A_51, %eq3A : vector<512x4096xf32>
    %jit3A = arith.constant 4096 : i32
    %broadcast_in_dim3A_60 = vector.broadcast %jit3A : i32 to vector<512x4096xi32>
    %select_n3A_61 = arith.select %eq3A_59, %iota3A, %broadcast_in_dim3A_60 : vector<512x4096xi1>, vector<512x4096xi32>
    %reduce_min3A_62 = arith.constant dense<2147483647> : vector<512xi32>
    %reduce_min3A_63 = vector.multi_reduction <minsi>, %select_n3A_61, %reduce_min3A_62 [1] : vector<512x4096xi32> to vector<512xi32>
    %broadcast_in_dim3A_64 = vector.shape_cast %reduce_min3A_63 : vector<512xi32> to vector<512x1xi32>
    %mul3A_65 = arith.constant 4096 : i32
    %mul3A_66 = arith.muli %arg0, %mul3A_65 : i32
    %add3A_67 = vector.broadcast %mul3A_66 : i32 to vector<512x1xi32>
    %add3A_68 = arith.addi %broadcast_in_dim3A_64, %add3A_67 : vector<512x1xi32>
    %swap3A = arith.constant 0 : index
    %swap3A_69 = arith.constant 0 : index
    %swap3A_70 = arith.constant 0 : index
    %swap3A_71 = vector.load %arg10[%swap3A, %swap3A_69, %swap3A_70] : memref<1x4096x1xi32, #tpu.memory_space<vmem>>, vector<1x512x1xi32>
    %swap3A_72 = vector.shape_cast %swap3A_71 : vector<1x512x1xi32> to vector<512x1xi32>
    %swap3A_73 = vector.shape_cast %add3A_68 : vector<512x1xi32> to vector<1x512x1xi32>
    tpu.vector_store %arg10[%swap3A, %swap3A_69, %swap3A_70], %swap3A_73 {strides = array<i32>} : memref<1x4096x1xi32, #tpu.memory_space<vmem>>, vector<1x512x1xi32>,
    %slice3A_74 = vector.extract_strided_slice %add3A {offsets = [0, 0], sizes = [512, 1], strides = [1, 1]} : vector<512x3xf32> to vector<512x1xf32>
    %slice3A_75 = vector.extract_strided_slice %add3A {offsets = [0, 1], sizes = [512, 1], strides = [1, 1]} : vector<512x3xf32> to vector<512x1xf32>
    %ge3A = arith.constant -3.200000e+01 : f32
    %ge3A_76 = vector.broadcast %ge3A : f32 to vector<512x1xf32>
    %ge3A_77 = arith.cmpf oge, %slice3A_74, %ge3A_76 : vector<512x1xf32>
    %le3A = arith.constant 3.200000e+01 : f32
    %le3A_78 = vector.broadcast %le3A : f32 to vector<512x1xf32>
    %le3A_79 = arith.cmpf ole, %slice3A_74, %le3A_78 : vector<512x1xf32>
    %and3A = arith.andi %ge3A_77, %le3A_79 : vector<512x1xi1>
    %ge3A_80 = arith.constant -3.200000e+01 : f32
    %ge3A_81 = vector.broadcast %ge3A_80 : f32 to vector<512x1xf32>
    %ge3A_82 = arith.cmpf oge, %slice3A_75, %ge3A_81 : vector<512x1xf32>
    %and3A_83 = arith.andi %and3A, %ge3A_82 : vector<512x1xi1>
    %le3A_84 = arith.constant 3.200000e+01 : f32
    %le3A_85 = vector.broadcast %le3A_84 : f32 to vector<512x1xf32>
    %le3A_86 = arith.cmpf ole, %slice3A_75, %le3A_85 : vector<512x1xf32>
    %and3A_87 = arith.andi %and3A_83, %le3A_86 : vector<512x1xi1>
    %convert_element_type3A = arith.extui %and3A_87 : vector<512x1xi1> to vector<512x1xi32>
    %convert_element_type3A_88 = arith.sitofp %convert_element_type3A : vector<512x1xi32> to vector<512x1xf32>
    %dot_general3A_89 = arith.constant dense<0.000000e+00> : vector<512x3xf32>
    %dot_general3A_90 = tpu.matmul %slice3A_46, %slice3A, %dot_general3A_89 {dimension_numbers = #tpu.dot_dimension_numbers<[1], [1], [0], [0], [0, 0, 1, 0], [], []>, transpose_lhs_hint = false} : vector<512x3xf32>, vector<3x3xf32>, vector<512x3xf32> -> vector<512x3xf32>
    %broadcast_in_dim3A_91 = vector.shape_cast %squeeze3A : vector<3xf32> to vector<1x3xf32>
    %add3A_92 = vector.broadcast %broadcast_in_dim3A_91 : vector<1x3xf32> to vector<512x3xf32>
    %add3A_93 = arith.addf %dot_general3A_90, %add3A_92 : vector<512x3xf32>
    %sub3A_94 = arith.subf %add3A_93, %slice3A_46 : vector<512x3xf32>
    %slice3A_95 = vector.extract_strided_slice %slice3A_45 {offsets = [0, 6], sizes = [512, 3], strides = [1, 1]} : vector<512x11xf32> to vector<512x3xf32>
    %sub3A_96 = arith.subf %slice3A_95, %sub3A_94 : vector<512x3xf32>
    %mul3A_97 = arith.mulf %sub3A_96, %sub3A_96 : vector<512x3xf32>
    %reduce_sum3A_98 = arith.constant dense<0.000000e+00> : vector<512xf32>
    %reduce_sum3A_99 = vector.multi_reduction <add>, %mul3A_97, %reduce_sum3A_98 [1] : vector<512x3xf32> to vector<512xf32>
    %broadcast_in_dim3A_100 = vector.shape_cast %reduce_sum3A_99 : vector<512xf32> to vector<512x1xf32>
    %slice3A_101 = vector.extract_strided_slice %slice3A_45 {offsets = [0, 9], sizes = [512, 1], strides = [1, 1]} : vector<512x11xf32> to vector<512x1xf32>
    %slice3A_102 = vector.extract_strided_slice %slice3A_45 {offsets = [0, 10], sizes = [512, 1], strides = [1, 1]} : vector<512x11xf32> to vector<512x1xf32>
    %eq3A_103 = arith.cmpf oeq, %slice3A_102, %slice3A_102 : vector<512x1xf32>
    %convert_element_type3A_104 = arith.extui %eq3A_103 : vector<512x1xi1> to vector<512x1xi32>
    %convert_element_type3A_105 = arith.sitofp %convert_element_type3A_104 : vector<512x1xi32> to vector<512x1xf32>
    %mul3A_106 = arith.mulf %convert_element_type3A_88, %max3A_58 : vector<512x1xf32>
    %reduce_sum3A_107 = vector.shape_cast %mul3A_106 : vector<512x1xf32> to vector<1x512x1xf32>
    %reduce_sum3A_108 = arith.constant dense<0.000000e+00> : vector<1xf32>
    %reduce_sum3A_109 = vector.multi_reduction <add>, %reduce_sum3A_107, %reduce_sum3A_108 [1, 2] : vector<1x512x1xf32> to vector<1xf32>
    %reduce_sum3A_110 = vector.shape_cast %reduce_sum3A_109 : vector<1xf32> to vector<1x1x1xf32>
    %reduce_sum3A_111 = vector.extract %reduce_sum3A_110[0, 0, 0] : f32 from vector<1x1x1xf32>
    %add3A_112 = arith.constant 0.000000e+00 : f32
    %add3A_113 = arith.addf %add3A_112, %reduce_sum3A_111 : f32
    %reduce_sum3A_114 = vector.shape_cast %convert_element_type3A_88 : vector<512x1xf32> to vector<1x512x1xf32>
    %reduce_sum3A_115 = arith.constant dense<0.000000e+00> : vector<1xf32>
    %reduce_sum3A_116 = vector.multi_reduction <add>, %reduce_sum3A_114, %reduce_sum3A_115 [1, 2] : vector<1x512x1xf32> to vector<1xf32>
    %reduce_sum3A_117 = vector.shape_cast %reduce_sum3A_116 : vector<1xf32> to vector<1x1x1xf32>
    %reduce_sum3A_118 = vector.extract %reduce_sum3A_117[0, 0, 0] : f32 from vector<1x1x1xf32>
    %add3A_119 = arith.constant 0.000000e+00 : f32
    %add3A_120 = arith.addf %add3A_119, %reduce_sum3A_118 : f32
    %mul3A_121 = arith.mulf %slice3A_101, %broadcast_in_dim3A_100 : vector<512x1xf32>
    %reduce_sum3A_122 = vector.shape_cast %mul3A_121 : vector<512x1xf32> to vector<1x512x1xf32>
    %reduce_sum3A_123 = arith.constant dense<0.000000e+00> : vector<1xf32>
    %reduce_sum3A_124 = vector.multi_reduction <add>, %reduce_sum3A_122, %reduce_sum3A_123 [1, 2] : vector<1x512x1xf32> to vector<1xf32>
    %reduce_sum3A_125 = vector.shape_cast %reduce_sum3A_124 : vector<1xf32> to vector<1x1x1xf32>
    %reduce_sum3A_126 = vector.extract %reduce_sum3A_125[0, 0, 0] : f32 from vector<1x1x1xf32>
    %add3A_127 = arith.constant 0.000000e+00 : f32
    %add3A_128 = arith.addf %add3A_127, %reduce_sum3A_126 : f32
    %reduce_sum3A_129 = vector.shape_cast %slice3A_101 : vector<512x1xf32> to vector<1x512x1xf32>
    %reduce_sum3A_130 = arith.constant dense<0.000000e+00> : vector<1xf32>
    %reduce_sum3A_131 = vector.multi_reduction <add>, %reduce_sum3A_129, %reduce_sum3A_130 [1, 2] : vector<1x512x1xf32> to vector<1xf32>
    %reduce_sum3A_132 = vector.shape_cast %reduce_sum3A_131 : vector<1xf32> to vector<1x1x1xf32>
    %reduce_sum3A_133 = vector.extract %reduce_sum3A_132[0, 0, 0] : f32 from vector<1x1x1xf32>
    %add3A_134 = arith.constant 0.000000e+00 : f32
    %add3A_135 = arith.addf %add3A_134, %reduce_sum3A_133 : f32
    %eq3A_136 = arith.cmpf oeq, %slice3A_102, %slice3A_102 : vector<512x1xf32>
    %jit3A_137 = arith.constant 0.000000e+00 : f32
    %broadcast_in_dim3A_138 = vector.broadcast %jit3A_137 : f32 to vector<512x1xf32>
    %select_n3A_139 = arith.select %eq3A_136, %slice3A_102, %broadcast_in_dim3A_138 : vector<512x1xi1>, vector<512x1xf32>
    %reduce_sum3A_140 = vector.shape_cast %select_n3A_139 : vector<512x1xf32> to vector<1x512x1xf32>
    %reduce_sum3A_141 = arith.constant dense<0.000000e+00> : vector<1xf32>
    %reduce_sum3A_142 = vector.multi_reduction <add>, %reduce_sum3A_140, %reduce_sum3A_141 [1, 2] : vector<1x512x1xf32> to vector<1xf32>
    %reduce_sum3A_143 = vector.shape_cast %reduce_sum3A_142 : vector<1xf32> to vector<1x1x1xf32>
    %reduce_sum3A_144 = vector.extract %reduce_sum3A_143[0, 0, 0] : f32 from vector<1x1x1xf32>
    %add3A_145 = arith.constant 0.000000e+00 : f32
    %add3A_146 = arith.addf %add3A_145, %reduce_sum3A_144 : f32
    %reduce_sum3A_147 = vector.shape_cast %convert_element_type3A_105 : vector<512x1xf32> to vector<1x512x1xf32>
    %reduce_sum3A_148 = arith.constant dense<0.000000e+00> : vector<1xf32>
    %reduce_sum3A_149 = vector.multi_reduction <add>, %reduce_sum3A_147, %reduce_sum3A_148 [1, 2] : vector<1x512x1xf32> to vector<1xf32>
    %reduce_sum3A_150 = vector.shape_cast %reduce_sum3A_149 : vector<1xf32> to vector<1x1x1xf32>
    %reduce_sum3A_151 = vector.extract %reduce_sum3A_150[0, 0, 0] : f32 from vector<1x1x1xf32>
    %add3A_152 = arith.constant 0.000000e+00 : f32
    %add3A_153 = arith.addf %add3A_152, %reduce_sum3A_151 : f32
    %slice3A_154 = vector.extract_strided_slice %select_n3A {offsets = [512, 0], sizes = [512, 11], strides = [1, 1]} : vector<4096x11xf32> to vector<512x11xf32>
    %slice3A_155 = vector.extract_strided_slice %slice3A_154 {offsets = [0, 0], sizes = [512, 3], strides = [1, 1]} : vector<512x11xf32> to vector<512x3xf32>
    %slice3A_156 = vector.extract_strided_slice %slice3A_154 {offsets = [0, 3], sizes = [512, 3], strides = [1, 1]} : vector<512x11xf32> to vector<512x3xf32>
    %add3A_157 = arith.addf %slice3A_155, %slice3A_156 : vector<512x3xf32>
    %dot_general3A_158 = arith.constant dense<0.000000e+00> : vector<512x4096xf32>
    %dot_general3A_159 = tpu.matmul %add3A_157, %select_n3A_20, %dot_general3A_158 {dimension_numbers = #tpu.dot_dimension_numbers<[1], [0], [0], [1], [0, 0, 1, 1], [], []>, transpose_lhs_hint = false} : vector<512x3xf32>, vector<3x4096xf32>, vector<512x4096xf32> -> vector<512x4096xf32>
    %mul3A_160 = arith.constant 2.000000e+00 : f32
    %mul3A_161 = vector.broadcast %mul3A_160 : f32 to vector<512x4096xf32>
    %mul3A_162 = arith.mulf %mul3A_161, %dot_general3A_159 : vector<512x4096xf32>
    %sub3A_163 = vector.broadcast %select_n3A_31 : vector<1x4096xf32> to vector<512x4096xf32>
    %sub3A_164 = arith.subf %sub3A_163, %mul3A_162 : vector<512x4096xf32>
    %reduce_min3A_165 = arith.constant dense<0x7F800000> : vector<512xf32>
    %reduce_min3A_166 = vector.multi_reduction <minimumf>, %sub3A_164, %reduce_min3A_165 [1] : vector<512x4096xf32> to vector<512xf32>
    %broadcast_in_dim3A_167 = vector.shape_cast %reduce_min3A_166 : vector<512xf32> to vector<512x1xf32>
    %mul3A_168 = arith.mulf %add3A_157, %add3A_157 : vector<512x3xf32>
    %reduce_sum3A_169 = arith.constant dense<0.000000e+00> : vector<512xf32>
    %reduce_sum3A_170 = vector.multi_reduction <add>, %mul3A_168, %reduce_sum3A_169 [1] : vector<512x3xf32> to vector<512xf32>
    %broadcast_in_dim3A_171 = vector.shape_cast %reduce_sum3A_170 : vector<512xf32> to vector<512x1xf32>
    %add3A_172 = arith.addf %broadcast_in_dim3A_171, %broadcast_in_dim3A_167 : vector<512x1xf32>
    %max3A_173 = arith.constant 0.000000e+00 : f32
    %max3A_174 = vector.broadcast %max3A_173 : f32 to vector<512x1xf32>
    %max3A_175 = arith.maximumf %add3A_172, %max3A_174 : vector<512x1xf32>
    %iota3A_176 = tpu.iota {dimensions = array<i32: 1>} : vector<512x4096xi32>
    %eq3A_177 = vector.broadcast %broadcast_in_dim3A_167 : vector<512x1xf32> to vector<512x4096xf32>
    %eq3A_178 = arith.cmpf oeq, %sub3A_164, %eq3A_177 : vector<512x4096xf32>
    %jit3A_179 = arith.constant 4096 : i32
    %broadcast_in_dim3A_180 = vector.broadcast %jit3A_179 : i32 to vector<512x4096xi32>
    %select_n3A_181 = arith.select %eq3A_178, %iota3A_176, %broadcast_in_dim3A_180 : vector<512x4096xi1>, vector<512x4096xi32>
    %reduce_min3A_182 = arith.constant dense<2147483647> : vector<512xi32>
    %reduce_min3A_183 = vector.multi_reduction <minsi>, %select_n3A_181, %reduce_min3A_182 [1] : vector<512x4096xi32> to vector<512xi32>
    %broadcast_in_dim3A_184 = vector.shape_cast %reduce_min3A_183 : vector<512xi32> to vector<512x1xi32>
    %mul3A_185 = arith.constant 4096 : i32
    %mul3A_186 = arith.muli %arg0, %mul3A_185 : i32
    %add3A_187 = vector.broadcast %mul3A_186 : i32 to vector<512x1xi32>
    %add3A_188 = arith.addi %broadcast_in_dim3A_184, %add3A_187 : vector<512x1xi32>
    %swap3A_189 = arith.constant 0 : index
    %swap3A_190 = arith.constant 512 : index
    %swap3A_191 = arith.constant 0 : index
    %swap3A_192 = vector.load %arg10[%swap3A_189, %swap3A_190, %swap3A_191] : memref<1x4096x1xi32, #tpu.memory_space<vmem>>, vector<1x512x1xi32>
    %swap3A_193 = vector.shape_cast %swap3A_192 : vector<1x512x1xi32> to vector<512x1xi32>
    %swap3A_194 = vector.shape_cast %add3A_188 : vector<512x1xi32> to vector<1x512x1xi32>
    tpu.vector_store %arg10[%swap3A_189, %swap3A_190, %swap3A_191], %swap3A_194 {strides = array<i32>} : memref<1x4096x1xi32, #tpu.memory_space<vmem>>, vector<1x512x1xi32>,
    %slice3A_195 = vector.extract_strided_slice %add3A_157 {offsets = [0, 0], sizes = [512, 1], strides = [1, 1]} : vector<512x3xf32> to vector<512x1xf32>
    %slice3A_196 = vector.extract_strided_slice %add3A_157 {offsets = [0, 1], sizes = [512, 1], strides = [1, 1]} : vector<512x3xf32> to vector<512x1xf32>
    %ge3A_197 = arith.constant -3.200000e+01 : f32
    %ge3A_198 = vector.broadcast %ge3A_197 : f32 to vector<512x1xf32>
    %ge3A_199 = arith.cmpf oge, %slice3A_195, %ge3A_198 : vector<512x1xf32>
    %le3A_200 = arith.constant 3.200000e+01 : f32
    %le3A_201 = vector.broadcast %le3A_200 : f32 to vector<512x1xf32>
    %le3A_202 = arith.cmpf ole, %slice3A_195, %le3A_201 : vector<512x1xf32>
    %and3A_203 = arith.andi %ge3A_199, %le3A_202 : vector<512x1xi1>
    %ge3A_204 = arith.constant -3.200000e+01 : f32
    %ge3A_205 = vector.broadcast %ge3A_204 : f32 to vector<512x1xf32>
    %ge3A_206 = arith.cmpf oge, %slice3A_196, %ge3A_205 : vector<512x1xf32>
    %and3A_207 = arith.andi %and3A_203, %ge3A_206 : vector<512x1xi1>
    %le3A_208 = arith.constant 3.200000e+01 : f32
    %le3A_209 = vector.broadcast %le3A_208 : f32 to vector<512x1xf32>
    %le3A_210 = arith.cmpf ole, %slice3A_196, %le3A_209 : vector<512x1xf32>
    %and3A_211 = arith.andi %and3A_207, %le3A_210 : vector<512x1xi1>
    %convert_element_type3A_212 = arith.extui %and3A_211 : vector<512x1xi1> to vector<512x1xi32>
    %convert_element_type3A_213 = arith.sitofp %convert_element_type3A_212 : vector<512x1xi32> to vector<512x1xf32>
    %dot_general3A_214 = arith.constant dense<0.000000e+00> : vector<512x3xf32>
    %dot_general3A_215 = tpu.matmul %slice3A_155, %slice3A, %dot_general3A_214 {dimension_numbers = #tpu.dot_dimension_numbers<[1], [1], [0], [0], [0, 0, 1, 0], [], []>, transpose_lhs_hint = false} : vector<512x3xf32>, vector<3x3xf32>, vector<512x3xf32> -> vector<512x3xf32>
    %broadcast_in_dim3A_216 = vector.shape_cast %squeeze3A : vector<3xf32> to vector<1x3xf32>
    %add3A_217 = vector.broadcast %broadcast_in_dim3A_216 : vector<1x3xf32> to vector<512x3xf32>
    %add3A_218 = arith.addf %dot_general3A_215, %add3A_217 : vector<512x3xf32>
    %sub3A_219 = arith.subf %add3A_218, %slice3A_155 : vector<512x3xf32>
    %slice3A_220 = vector.extract_strided_slice %slice3A_154 {offsets = [0, 6], sizes = [512, 3], strides = [1, 1]} : vector<512x11xf32> to vector<512x3xf32>
    %sub3A_221 = arith.subf %slice3A_220, %sub3A_219 : vector<512x3xf32>
    %mul3A_222 = arith.mulf %sub3A_221, %sub3A_221 : vector<512x3xf32>
    %reduce_sum3A_223 = arith.constant dense<0.000000e+00> : vector<512xf32>
    %reduce_sum3A_224 = vector.multi_reduction <add>, %mul3A_222, %reduce_sum3A_223 [1] : vector<512x3xf32> to vector<512xf32>
    %broadcast_in_dim3A_225 = vector.shape_cast %reduce_sum3A_224 : vector<512xf32> to vector<512x1xf32>
    %slice3A_226 = vector.extract_strided_slice %slice3A_154 {offsets = [0, 9], sizes = [512, 1], strides = [1, 1]} : vector<512x11xf32> to vector<512x1xf32>
    %slice3A_227 = vector.extract_strided_slice %slice3A_154 {offsets = [0, 10], sizes = [512, 1], strides = [1, 1]} : vector<512x11xf32> to vector<512x1xf32>
    %eq3A_228 = arith.cmpf oeq, %slice3A_227, %slice3A_227 : vector<512x1xf32>
    %convert_element_type3A_229 = arith.extui %eq3A_228 : vector<512x1xi1> to vector<512x1xi32>
    %convert_element_type3A_230 = arith.sitofp %convert_element_type3A_229 : vector<512x1xi32> to vector<512x1xf32>
    %mul3A_231 = arith.mulf %convert_element_type3A_213, %max3A_175 : vector<512x1xf32>
    %reduce_sum3A_232 = vector.shape_cast %mul3A_231 : vector<512x1xf32> to vector<1x512x1xf32>
    %reduce_sum3A_233 = arith.constant dense<0.000000e+00> : vector<1xf32>
    %reduce_sum3A_234 = vector.multi_reduction <add>, %reduce_sum3A_232, %reduce_sum3A_233 [1, 2] : vector<1x512x1xf32> to vector<1xf32>
    %reduce_sum3A_235 = vector.shape_cast %reduce_sum3A_234 : vector<1xf32> to vector<1x1x1xf32>
    %reduce_sum3A_236 = vector.extract %reduce_sum3A_235[0, 0, 0] : f32 from vector<1x1x1xf32>
    %add3A_237 = arith.addf %add3A_113, %reduce_sum3A_236 : f32
    %reduce_sum3A_238 = vector.shape_cast %convert_element_type3A_213 : vector<512x1xf32> to vector<1x512x1xf32>
    %reduce_sum3A_239 = arith.constant dense<0.000000e+00> : vector<1xf32>
    %reduce_sum3A_240 = vector.multi_reduction <add>, %reduce_sum3A_238, %reduce_sum3A_239 [1, 2] : vector<1x512x1xf32> to vector<1xf32>
    %reduce_sum3A_241 = vector.shape_cast %reduce_sum3A_240 : vector<1xf32> to vector<1x1x1xf32>
    %reduce_sum3A_242 = vector.extract %reduce_sum3A_241[0, 0, 0] : f32 from vector<1x1x1xf32>
    %add3A_243 = arith.addf %add3A_120, %reduce_sum3A_242 : f32
    %mul3A_244 = arith.mulf %slice3A_226, %broadcast_in_dim3A_225 : vector<512x1xf32>
    %reduce_sum3A_245 = vector.shape_cast %mul3A_244 : vector<512x1xf32> to vector<1x512x1xf32>
    %reduce_sum3A_246 = arith.constant dense<0.000000e+00> : vector<1xf32>
    %reduce_sum3A_247 = vector.multi_reduction <add>, %reduce_sum3A_245, %reduce_sum3A_246 [1, 2] : vector<1x512x1xf32> to vector<1xf32>
    %reduce_sum3A_248 = vector.shape_cast %reduce_sum3A_247 : vector<1xf32> to vector<1x1x1xf32>
    %reduce_sum3A_249 = vector.extract %reduce_sum3A_248[0, 0, 0] : f32 from vector<1x1x1xf32>
    %add3A_250 = arith.addf %add3A_128, %reduce_sum3A_249 : f32
    %reduce_sum3A_251 = vector.shape_cast %slice3A_226 : vector<512x1xf32> to vector<1x512x1xf32>
    %reduce_sum3A_252 = arith.constant dense<0.000000e+00> : vector<1xf32>
    %reduce_sum3A_253 = vector.multi_reduction <add>, %reduce_sum3A_251, %reduce_sum3A_252 [1, 2] : vector<1x512x1xf32> to vector<1xf32>
    %reduce_sum3A_254 = vector.shape_cast %reduce_sum3A_253 : vector<1xf32> to vector<1x1x1xf32>
    %reduce_sum3A_255 = vector.extract %reduce_sum3A_254[0, 0, 0] : f32 from vector<1x1x1xf32>
    %add3A_256 = arith.addf %add3A_135, %reduce_sum3A_255 : f32
    %eq3A_257 = arith.cmpf oeq, %slice3A_227, %slice3A_227 : vector<512x1xf32>
    %jit3A_258 = arith.constant 0.000000e+00 : f32
    %broadcast_in_dim3A_259 = vector.broadcast %jit3A_258 : f32 to vector<512x1xf32>
    %select_n3A_260 = arith.select %eq3A_257, %slice3A_227, %broadcast_in_dim3A_259 : vector<512x1xi1>, vector<512x1xf32>
    %reduce_sum3A_261 = vector.shape_cast %select_n3A_260 : vector<512x1xf32> to vector<1x512x1xf32>
    %reduce_sum3A_262 = arith.constant dense<0.000000e+00> : vector<1xf32>
    %reduce_sum3A_263 = vector.multi_reduction <add>, %reduce_sum3A_261, %reduce_sum3A_262 [1, 2] : vector<1x512x1xf32> to vector<1xf32>
    %reduce_sum3A_264 = vector.shape_cast %reduce_sum3A_263 : vector<1xf32> to vector<1x1x1xf32>
    %reduce_sum3A_265 = vector.extract %reduce_sum3A_264[0, 0, 0] : f32 from vector<1x1x1xf32>
    %add3A_266 = arith.addf %add3A_146, %reduce_sum3A_265 : f32
    %reduce_sum3A_267 = vector.shape_cast %convert_element_type3A_230 : vector<512x1xf32> to vector<1x512x1xf32>
    %reduce_sum3A_268 = arith.constant dense<0.000000e+00> : vector<1xf32>
    %reduce_sum3A_269 = vector.multi_reduction <add>, %reduce_sum3A_267, %reduce_sum3A_268 [1, 2] : vector<1x512x1xf32> to vector<1xf32>
    %reduce_sum3A_270 = vector.shape_cast %reduce_sum3A_269 : vector<1xf32> to vector<1x1x1xf32>
    %reduce_sum3A_271 = vector.extract %reduce_sum3A_270[0, 0, 0] : f32 from vector<1x1x1xf32>
    %add3A_272 = arith.addf %add3A_153, %reduce_sum3A_271 : f32
    %slice3A_273 = vector.extract_strided_slice %select_n3A {offsets = [1024, 0], sizes = [512, 11], strides = [1, 1]} : vector<4096x11xf32> to vector<512x11xf32>
    %slice3A_274 = vector.extract_strided_slice %slice3A_273 {offsets = [0, 0], sizes = [512, 3], strides = [1, 1]} : vector<512x11xf32> to vector<512x3xf32>
    %slice3A_275 = vector.extract_strided_slice %slice3A_273 {offsets = [0, 3], sizes = [512, 3], strides = [1, 1]} : vector<512x11xf32> to vector<512x3xf32>
    %add3A_276 = arith.addf %slice3A_274, %slice3A_275 : vector<512x3xf32>
    %dot_general3A_277 = arith.constant dense<0.000000e+00> : vector<512x4096xf32>
    %dot_general3A_278 = tpu.matmul %add3A_276, %select_n3A_20, %dot_general3A_277 {dimension_numbers = #tpu.dot_dimension_numbers<[1], [0], [0], [1], [0, 0, 1, 1], [], []>, transpose_lhs_hint = false} : vector<512x3xf32>, vector<3x4096xf32>, vector<512x4096xf32> -> vector<512x4096xf32>
    %mul3A_279 = arith.constant 2.000000e+00 : f32
    %mul3A_280 = vector.broadcast %mul3A_279 : f32 to vector<512x4096xf32>
    %mul3A_281 = arith.mulf %mul3A_280, %dot_general3A_278 : vector<512x4096xf32>
    %sub3A_282 = vector.broadcast %select_n3A_31 : vector<1x4096xf32> to vector<512x4096xf32>
    %sub3A_283 = arith.subf %sub3A_282, %mul3A_281 : vector<512x4096xf32>
    %reduce_min3A_284 = arith.constant dense<0x7F800000> : vector<512xf32>
    %reduce_min3A_285 = vector.multi_reduction <minimumf>, %sub3A_283, %reduce_min3A_284 [1] : vector<512x4096xf32> to vector<512xf32>
    %broadcast_in_dim3A_286 = vector.shape_cast %reduce_min3A_285 : vector<512xf32> to vector<512x1xf32>
    %mul3A_287 = arith.mulf %add3A_276, %add3A_276 : vector<512x3xf32>
    %reduce_sum3A_288 = arith.constant dense<0.000000e+00> : vector<512xf32>
    %reduce_sum3A_289 = vector.multi_reduction <add>, %mul3A_287, %reduce_sum3A_288 [1] : vector<512x3xf32> to vector<512xf32>
    %broadcast_in_dim3A_290 = vector.shape_cast %reduce_sum3A_289 : vector<512xf32> to vector<512x1xf32>
    %add3A_291 = arith.addf %broadcast_in_dim3A_290, %broadcast_in_dim3A_286 : vector<512x1xf32>
    %max3A_292 = arith.constant 0.000000e+00 : f32
    %max3A_293 = vector.broadcast %max3A_292 : f32 to vector<512x1xf32>
    %max3A_294 = arith.maximumf %add3A_291, %max3A_293 : vector<512x1xf32>
    %iota3A_295 = tpu.iota {dimensions = array<i32: 1>} : vector<512x4096xi32>
    %eq3A_296 = vector.broadcast %broadcast_in_dim3A_286 : vector<512x1xf32> to vector<512x4096xf32>
    %eq3A_297 = arith.cmpf oeq, %sub3A_283, %eq3A_296 : vector<512x4096xf32>
    %jit3A_298 = arith.constant 4096 : i32
    %broadcast_in_dim3A_299 = vector.broadcast %jit3A_298 : i32 to vector<512x4096xi32>
    %select_n3A_300 = arith.select %eq3A_297, %iota3A_295, %broadcast_in_dim3A_299 : vector<512x4096xi1>, vector<512x4096xi32>
    %reduce_min3A_301 = arith.constant dense<2147483647> : vector<512xi32>
    %reduce_min3A_302 = vector.multi_reduction <minsi>, %select_n3A_300, %reduce_min3A_301 [1] : vector<512x4096xi32> to vector<512xi32>
    %broadcast_in_dim3A_303 = vector.shape_cast %reduce_min3A_302 : vector<512xi32> to vector<512x1xi32>
    %mul3A_304 = arith.constant 4096 : i32
    %mul3A_305 = arith.muli %arg0, %mul3A_304 : i32
    %add3A_306 = vector.broadcast %mul3A_305 : i32 to vector<512x1xi32>
    %add3A_307 = arith.addi %broadcast_in_dim3A_303, %add3A_306 : vector<512x1xi32>
    %swap3A_308 = arith.constant 0 : index
    %swap3A_309 = arith.constant 1024 : index
    %swap3A_310 = arith.constant 0 : index
    %swap3A_311 = vector.load %arg10[%swap3A_308, %swap3A_309, %swap3A_310] : memref<1x4096x1xi32, #tpu.memory_space<vmem>>, vector<1x512x1xi32>
    %swap3A_312 = vector.shape_cast %swap3A_311 : vector<1x512x1xi32> to vector<512x1xi32>
    %swap3A_313 = vector.shape_cast %add3A_307 : vector<512x1xi32> to vector<1x512x1xi32>
    tpu.vector_store %arg10[%swap3A_308, %swap3A_309, %swap3A_310], %swap3A_313 {strides = array<i32>} : memref<1x4096x1xi32, #tpu.memory_space<vmem>>, vector<1x512x1xi32>,
    %slice3A_314 = vector.extract_strided_slice %add3A_276 {offsets = [0, 0], sizes = [512, 1], strides = [1, 1]} : vector<512x3xf32> to vector<512x1xf32>
    %slice3A_315 = vector.extract_strided_slice %add3A_276 {offsets = [0, 1], sizes = [512, 1], strides = [1, 1]} : vector<512x3xf32> to vector<512x1xf32>
    %ge3A_316 = arith.constant -3.200000e+01 : f32
    %ge3A_317 = vector.broadcast %ge3A_316 : f32 to vector<512x1xf32>
    %ge3A_318 = arith.cmpf oge, %slice3A_314, %ge3A_317 : vector<512x1xf32>
    %le3A_319 = arith.constant 3.200000e+01 : f32
    %le3A_320 = vector.broadcast %le3A_319 : f32 to vector<512x1xf32>
    %le3A_321 = arith.cmpf ole, %slice3A_314, %le3A_320 : vector<512x1xf32>
    %and3A_322 = arith.andi %ge3A_318, %le3A_321 : vector<512x1xi1>
    %ge3A_323 = arith.constant -3.200000e+01 : f32
    %ge3A_324 = vector.broadcast %ge3A_323 : f32 to vector<512x1xf32>
    %ge3A_325 = arith.cmpf oge, %slice3A_315, %ge3A_324 : vector<512x1xf32>
    %and3A_326 = arith.andi %and3A_322, %ge3A_325 : vector<512x1xi1>
    %le3A_327 = arith.constant 3.200000e+01 : f32
    %le3A_328 = vector.broadcast %le3A_327 : f32 to vector<512x1xf32>
    %le3A_329 = arith.cmpf ole, %slice3A_315, %le3A_328 : vector<512x1xf32>
    %and3A_330 = arith.andi %and3A_326, %le3A_329 : vector<512x1xi1>
    %convert_element_type3A_331 = arith.extui %and3A_330 : vector<512x1xi1> to vector<512x1xi32>
    %convert_element_type3A_332 = arith.sitofp %convert_element_type3A_331 : vector<512x1xi32> to vector<512x1xf32>
    %dot_general3A_333 = arith.constant dense<0.000000e+00> : vector<512x3xf32>
    %dot_general3A_334 = tpu.matmul %slice3A_274, %slice3A, %dot_general3A_333 {dimension_numbers = #tpu.dot_dimension_numbers<[1], [1], [0], [0], [0, 0, 1, 0], [], []>, transpose_lhs_hint = false} : vector<512x3xf32>, vector<3x3xf32>, vector<512x3xf32> -> vector<512x3xf32>
    %broadcast_in_dim3A_335 = vector.shape_cast %squeeze3A : vector<3xf32> to vector<1x3xf32>
    %add3A_336 = vector.broadcast %broadcast_in_dim3A_335 : vector<1x3xf32> to vector<512x3xf32>
    %add3A_337 = arith.addf %dot_general3A_334, %add3A_336 : vector<512x3xf32>
    %sub3A_338 = arith.subf %add3A_337, %slice3A_274 : vector<512x3xf32>
    %slice3A_339 = vector.extract_strided_slice %slice3A_273 {offsets = [0, 6], sizes = [512, 3], strides = [1, 1]} : vector<512x11xf32> to vector<512x3xf32>
    %sub3A_340 = arith.subf %slice3A_339, %sub3A_338 : vector<512x3xf32>
    %mul3A_341 = arith.mulf %sub3A_340, %sub3A_340 : vector<512x3xf32>
    %reduce_sum3A_342 = arith.constant dense<0.000000e+00> : vector<512xf32>
    %reduce_sum3A_343 = vector.multi_reduction <add>, %mul3A_341, %reduce_sum3A_342 [1] : vector<512x3xf32> to vector<512xf32>
    %broadcast_in_dim3A_344 = vector.shape_cast %reduce_sum3A_343 : vector<512xf32> to vector<512x1xf32>
    %slice3A_345 = vector.extract_strided_slice %slice3A_273 {offsets = [0, 9], sizes = [512, 1], strides = [1, 1]} : vector<512x11xf32> to vector<512x1xf32>
    %slice3A_346 = vector.extract_strided_slice %slice3A_273 {offsets = [0, 10], sizes = [512, 1], strides = [1, 1]} : vector<512x11xf32> to vector<512x1xf32>
    %eq3A_347 = arith.cmpf oeq, %slice3A_346, %slice3A_346 : vector<512x1xf32>
    %convert_element_type3A_348 = arith.extui %eq3A_347 : vector<512x1xi1> to vector<512x1xi32>
    %convert_element_type3A_349 = arith.sitofp %convert_element_type3A_348 : vector<512x1xi32> to vector<512x1xf32>
    %mul3A_350 = arith.mulf %convert_element_type3A_332, %max3A_294 : vector<512x1xf32>
    %reduce_sum3A_351 = vector.shape_cast %mul3A_350 : vector<512x1xf32> to vector<1x512x1xf32>
    %reduce_sum3A_352 = arith.constant dense<0.000000e+00> : vector<1xf32>
    %reduce_sum3A_353 = vector.multi_reduction <add>, %reduce_sum3A_351, %reduce_sum3A_352 [1, 2] : vector<1x512x1xf32> to vector<1xf32>
    %reduce_sum3A_354 = vector.shape_cast %reduce_sum3A_353 : vector<1xf32> to vector<1x1x1xf32>
    %reduce_sum3A_355 = vector.extract %reduce_sum3A_354[0, 0, 0] : f32 from vector<1x1x1xf32>
    %add3A_356 = arith.addf %add3A_237, %reduce_sum3A_355 : f32
    %reduce_sum3A_357 = vector.shape_cast %convert_element_type3A_332 : vector<512x1xf32> to vector<1x512x1xf32>
    %reduce_sum3A_358 = arith.constant dense<0.000000e+00> : vector<1xf32>
    %reduce_sum3A_359 = vector.multi_reduction <add>, %reduce_sum3A_357, %reduce_sum3A_358 [1, 2] : vector<1x512x1xf32> to vector<1xf32>
    %reduce_sum3A_360 = vector.shape_cast %reduce_sum3A_359 : vector<1xf32> to vector<1x1x1xf32>
    %reduce_sum3A_361 = vector.extract %reduce_sum3A_360[0, 0, 0] : f32 from vector<1x1x1xf32>
    %add3A_362 = arith.addf %add3A_243, %reduce_sum3A_361 : f32
    %mul3A_363 = arith.mulf %slice3A_345, %broadcast_in_dim3A_344 : vector<512x1xf32>
    %reduce_sum3A_364 = vector.shape_cast %mul3A_363 : vector<512x1xf32> to vector<1x512x1xf32>
    %reduce_sum3A_365 = arith.constant dense<0.000000e+00> : vector<1xf32>
    %reduce_sum3A_366 = vector.multi_reduction <add>, %reduce_sum3A_364, %reduce_sum3A_365 [1, 2] : vector<1x512x1xf32> to vector<1xf32>
    %reduce_sum3A_367 = vector.shape_cast %reduce_sum3A_366 : vector<1xf32> to vector<1x1x1xf32>
    %reduce_sum3A_368 = vector.extract %reduce_sum3A_367[0, 0, 0] : f32 from vector<1x1x1xf32>
    %add3A_369 = arith.addf %add3A_250, %reduce_sum3A_368 : f32
    %reduce_sum3A_370 = vector.shape_cast %slice3A_345 : vector<512x1xf32> to vector<1x512x1xf32>
    %reduce_sum3A_371 = arith.constant dense<0.000000e+00> : vector<1xf32>
    %reduce_sum3A_372 = vector.multi_reduction <add>, %reduce_sum3A_370, %reduce_sum3A_371 [1, 2] : vector<1x512x1xf32> to vector<1xf32>
    %reduce_sum3A_373 = vector.shape_cast %reduce_sum3A_372 : vector<1xf32> to vector<1x1x1xf32>
    %reduce_sum3A_374 = vector.extract %reduce_sum3A_373[0, 0, 0] : f32 from vector<1x1x1xf32>
    %add3A_375 = arith.addf %add3A_256, %reduce_sum3A_374 : f32
    %eq3A_376 = arith.cmpf oeq, %slice3A_346, %slice3A_346 : vector<512x1xf32>
    %jit3A_377 = arith.constant 0.000000e+00 : f32
    %broadcast_in_dim3A_378 = vector.broadcast %jit3A_377 : f32 to vector<512x1xf32>
    %select_n3A_379 = arith.select %eq3A_376, %slice3A_346, %broadcast_in_dim3A_378 : vector<512x1xi1>, vector<512x1xf32>
    %reduce_sum3A_380 = vector.shape_cast %select_n3A_379 : vector<512x1xf32> to vector<1x512x1xf32>
    %reduce_sum3A_381 = arith.constant dense<0.000000e+00> : vector<1xf32>
    %reduce_sum3A_382 = vector.multi_reduction <add>, %reduce_sum3A_380, %reduce_sum3A_381 [1, 2] : vector<1x512x1xf32> to vector<1xf32>
    %reduce_sum3A_383 = vector.shape_cast %reduce_sum3A_382 : vector<1xf32> to vector<1x1x1xf32>
    %reduce_sum3A_384 = vector.extract %reduce_sum3A_383[0, 0, 0] : f32 from vector<1x1x1xf32>
    %add3A_385 = arith.addf %add3A_266, %reduce_sum3A_384 : f32
    %reduce_sum3A_386 = vector.shape_cast %convert_element_type3A_349 : vector<512x1xf32> to vector<1x512x1xf32>
    %reduce_sum3A_387 = arith.constant dense<0.000000e+00> : vector<1xf32>
    %reduce_sum3A_388 = vector.multi_reduction <add>, %reduce_sum3A_386, %reduce_sum3A_387 [1, 2] : vector<1x512x1xf32> to vector<1xf32>
    %reduce_sum3A_389 = vector.shape_cast %reduce_sum3A_388 : vector<1xf32> to vector<1x1x1xf32>
    %reduce_sum3A_390 = vector.extract %reduce_sum3A_389[0, 0, 0] : f32 from vector<1x1x1xf32>
    %add3A_391 = arith.addf %add3A_272, %reduce_sum3A_390 : f32
    %slice3A_392 = vector.extract_strided_slice %select_n3A {offsets = [1536, 0], sizes = [512, 11], strides = [1, 1]} : vector<4096x11xf32> to vector<512x11xf32>
    %slice3A_393 = vector.extract_strided_slice %slice3A_392 {offsets = [0, 0], sizes = [512, 3], strides = [1, 1]} : vector<512x11xf32> to vector<512x3xf32>
    %slice3A_394 = vector.extract_strided_slice %slice3A_392 {offsets = [0, 3], sizes = [512, 3], strides = [1, 1]} : vector<512x11xf32> to vector<512x3xf32>
    %add3A_395 = arith.addf %slice3A_393, %slice3A_394 : vector<512x3xf32>
    %dot_general3A_396 = arith.constant dense<0.000000e+00> : vector<512x4096xf32>
    %dot_general3A_397 = tpu.matmul %add3A_395, %select_n3A_20, %dot_general3A_396 {dimension_numbers = #tpu.dot_dimension_numbers<[1], [0], [0], [1], [0, 0, 1, 1], [], []>, transpose_lhs_hint = false} : vector<512x3xf32>, vector<3x4096xf32>, vector<512x4096xf32> -> vector<512x4096xf32>
    %mul3A_398 = arith.constant 2.000000e+00 : f32
    %mul3A_399 = vector.broadcast %mul3A_398 : f32 to vector<512x4096xf32>
    %mul3A_400 = arith.mulf %mul3A_399, %dot_general3A_397 : vector<512x4096xf32>
    %sub3A_401 = vector.broadcast %select_n3A_31 : vector<1x4096xf32> to vector<512x4096xf32>
    %sub3A_402 = arith.subf %sub3A_401, %mul3A_400 : vector<512x4096xf32>
    %reduce_min3A_403 = arith.constant dense<0x7F800000> : vector<512xf32>
    %reduce_min3A_404 = vector.multi_reduction <minimumf>, %sub3A_402, %reduce_min3A_403 [1] : vector<512x4096xf32> to vector<512xf32>
    %broadcast_in_dim3A_405 = vector.shape_cast %reduce_min3A_404 : vector<512xf32> to vector<512x1xf32>
    %mul3A_406 = arith.mulf %add3A_395, %add3A_395 : vector<512x3xf32>
    %reduce_sum3A_407 = arith.constant dense<0.000000e+00> : vector<512xf32>
    %reduce_sum3A_408 = vector.multi_reduction <add>, %mul3A_406, %reduce_sum3A_407 [1] : vector<512x3xf32> to vector<512xf32>
    %broadcast_in_dim3A_409 = vector.shape_cast %reduce_sum3A_408 : vector<512xf32> to vector<512x1xf32>
    %add3A_410 = arith.addf %broadcast_in_dim3A_409, %broadcast_in_dim3A_405 : vector<512x1xf32>
    %max3A_411 = arith.constant 0.000000e+00 : f32
    %max3A_412 = vector.broadcast %max3A_411 : f32 to vector<512x1xf32>
    %max3A_413 = arith.maximumf %add3A_410, %max3A_412 : vector<512x1xf32>
    %iota3A_414 = tpu.iota {dimensions = array<i32: 1>} : vector<512x4096xi32>
    %eq3A_415 = vector.broadcast %broadcast_in_dim3A_405 : vector<512x1xf32> to vector<512x4096xf32>
    %eq3A_416 = arith.cmpf oeq, %sub3A_402, %eq3A_415 : vector<512x4096xf32>
    %jit3A_417 = arith.constant 4096 : i32
    %broadcast_in_dim3A_418 = vector.broadcast %jit3A_417 : i32 to vector<512x4096xi32>
    %select_n3A_419 = arith.select %eq3A_416, %iota3A_414, %broadcast_in_dim3A_418 : vector<512x4096xi1>, vector<512x4096xi32>
    %reduce_min3A_420 = arith.constant dense<2147483647> : vector<512xi32>
    %reduce_min3A_421 = vector.multi_reduction <minsi>, %select_n3A_419, %reduce_min3A_420 [1] : vector<512x4096xi32> to vector<512xi32>
    %broadcast_in_dim3A_422 = vector.shape_cast %reduce_min3A_421 : vector<512xi32> to vector<512x1xi32>
    %mul3A_423 = arith.constant 4096 : i32
    %mul3A_424 = arith.muli %arg0, %mul3A_423 : i32
    %add3A_425 = vector.broadcast %mul3A_424 : i32 to vector<512x1xi32>
    %add3A_426 = arith.addi %broadcast_in_dim3A_422, %add3A_425 : vector<512x1xi32>
    %swap3A_427 = arith.constant 0 : index
    %swap3A_428 = arith.constant 1536 : index
    %swap3A_429 = arith.constant 0 : index
    %swap3A_430 = vector.load %arg10[%swap3A_427, %swap3A_428, %swap3A_429] : memref<1x4096x1xi32, #tpu.memory_space<vmem>>, vector<1x512x1xi32>
    %swap3A_431 = vector.shape_cast %swap3A_430 : vector<1x512x1xi32> to vector<512x1xi32>
    %swap3A_432 = vector.shape_cast %add3A_426 : vector<512x1xi32> to vector<1x512x1xi32>
    tpu.vector_store %arg10[%swap3A_427, %swap3A_428, %swap3A_429], %swap3A_432 {strides = array<i32>} : memref<1x4096x1xi32, #tpu.memory_space<vmem>>, vector<1x512x1xi32>,
    %slice3A_433 = vector.extract_strided_slice %add3A_395 {offsets = [0, 0], sizes = [512, 1], strides = [1, 1]} : vector<512x3xf32> to vector<512x1xf32>
    %slice3A_434 = vector.extract_strided_slice %add3A_395 {offsets = [0, 1], sizes = [512, 1], strides = [1, 1]} : vector<512x3xf32> to vector<512x1xf32>
    %ge3A_435 = arith.constant -3.200000e+01 : f32
    %ge3A_436 = vector.broadcast %ge3A_435 : f32 to vector<512x1xf32>
    %ge3A_437 = arith.cmpf oge, %slice3A_433, %ge3A_436 : vector<512x1xf32>
    %le3A_438 = arith.constant 3.200000e+01 : f32
    %le3A_439 = vector.broadcast %le3A_438 : f32 to vector<512x1xf32>
    %le3A_440 = arith.cmpf ole, %slice3A_433, %le3A_439 : vector<512x1xf32>
    %and3A_441 = arith.andi %ge3A_437, %le3A_440 : vector<512x1xi1>
    %ge3A_442 = arith.constant -3.200000e+01 : f32
    %ge3A_443 = vector.broadcast %ge3A_442 : f32 to vector<512x1xf32>
    %ge3A_444 = arith.cmpf oge, %slice3A_434, %ge3A_443 : vector<512x1xf32>
    %and3A_445 = arith.andi %and3A_441, %ge3A_444 : vector<512x1xi1>
    %le3A_446 = arith.constant 3.200000e+01 : f32
    %le3A_447 = vector.broadcast %le3A_446 : f32 to vector<512x1xf32>
    %le3A_448 = arith.cmpf ole, %slice3A_434, %le3A_447 : vector<512x1xf32>
    %and3A_449 = arith.andi %and3A_445, %le3A_448 : vector<512x1xi1>
    %convert_element_type3A_450 = arith.extui %and3A_449 : vector<512x1xi1> to vector<512x1xi32>
    %convert_element_type3A_451 = arith.sitofp %convert_element_type3A_450 : vector<512x1xi32> to vector<512x1xf32>
    %dot_general3A_452 = arith.constant dense<0.000000e+00> : vector<512x3xf32>
    %dot_general3A_453 = tpu.matmul %slice3A_393, %slice3A, %dot_general3A_452 {dimension_numbers = #tpu.dot_dimension_numbers<[1], [1], [0], [0], [0, 0, 1, 0], [], []>, transpose_lhs_hint = false} : vector<512x3xf32>, vector<3x3xf32>, vector<512x3xf32> -> vector<512x3xf32>
    %broadcast_in_dim3A_454 = vector.shape_cast %squeeze3A : vector<3xf32> to vector<1x3xf32>
    %add3A_455 = vector.broadcast %broadcast_in_dim3A_454 : vector<1x3xf32> to vector<512x3xf32>
    %add3A_456 = arith.addf %dot_general3A_453, %add3A_455 : vector<512x3xf32>
    %sub3A_457 = arith.subf %add3A_456, %slice3A_393 : vector<512x3xf32>
    %slice3A_458 = vector.extract_strided_slice %slice3A_392 {offsets = [0, 6], sizes = [512, 3], strides = [1, 1]} : vector<512x11xf32> to vector<512x3xf32>
    %sub3A_459 = arith.subf %slice3A_458, %sub3A_457 : vector<512x3xf32>
    %mul3A_460 = arith.mulf %sub3A_459, %sub3A_459 : vector<512x3xf32>
    %reduce_sum3A_461 = arith.constant dense<0.000000e+00> : vector<512xf32>
    %reduce_sum3A_462 = vector.multi_reduction <add>, %mul3A_460, %reduce_sum3A_461 [1] : vector<512x3xf32> to vector<512xf32>
    %broadcast_in_dim3A_463 = vector.shape_cast %reduce_sum3A_462 : vector<512xf32> to vector<512x1xf32>
    %slice3A_464 = vector.extract_strided_slice %slice3A_392 {offsets = [0, 9], sizes = [512, 1], strides = [1, 1]} : vector<512x11xf32> to vector<512x1xf32>
    %slice3A_465 = vector.extract_strided_slice %slice3A_392 {offsets = [0, 10], sizes = [512, 1], strides = [1, 1]} : vector<512x11xf32> to vector<512x1xf32>
    %eq3A_466 = arith.cmpf oeq, %slice3A_465, %slice3A_465 : vector<512x1xf32>
    %convert_element_type3A_467 = arith.extui %eq3A_466 : vector<512x1xi1> to vector<512x1xi32>
    %convert_element_type3A_468 = arith.sitofp %convert_element_type3A_467 : vector<512x1xi32> to vector<512x1xf32>
    %mul3A_469 = arith.mulf %convert_element_type3A_451, %max3A_413 : vector<512x1xf32>
    %reduce_sum3A_470 = vector.shape_cast %mul3A_469 : vector<512x1xf32> to vector<1x512x1xf32>
    %reduce_sum3A_471 = arith.constant dense<0.000000e+00> : vector<1xf32>
    %reduce_sum3A_472 = vector.multi_reduction <add>, %reduce_sum3A_470, %reduce_sum3A_471 [1, 2] : vector<1x512x1xf32> to vector<1xf32>
    %reduce_sum3A_473 = vector.shape_cast %reduce_sum3A_472 : vector<1xf32> to vector<1x1x1xf32>
    %reduce_sum3A_474 = vector.extract %reduce_sum3A_473[0, 0, 0] : f32 from vector<1x1x1xf32>
    %add3A_475 = arith.addf %add3A_356, %reduce_sum3A_474 : f32
    %reduce_sum3A_476 = vector.shape_cast %convert_element_type3A_451 : vector<512x1xf32> to vector<1x512x1xf32>
    %reduce_sum3A_477 = arith.constant dense<0.000000e+00> : vector<1xf32>
    %reduce_sum3A_478 = vector.multi_reduction <add>, %reduce_sum3A_476, %reduce_sum3A_477 [1, 2] : vector<1x512x1xf32> to vector<1xf32>
    %reduce_sum3A_479 = vector.shape_cast %reduce_sum3A_478 : vector<1xf32> to vector<1x1x1xf32>
    %reduce_sum3A_480 = vector.extract %reduce_sum3A_479[0, 0, 0] : f32 from vector<1x1x1xf32>
    %add3A_481 = arith.addf %add3A_362, %reduce_sum3A_480 : f32
    %mul3A_482 = arith.mulf %slice3A_464, %broadcast_in_dim3A_463 : vector<512x1xf32>
    %reduce_sum3A_483 = vector.shape_cast %mul3A_482 : vector<512x1xf32> to vector<1x512x1xf32>
    %reduce_sum3A_484 = arith.constant dense<0.000000e+00> : vector<1xf32>
    %reduce_sum3A_485 = vector.multi_reduction <add>, %reduce_sum3A_483, %reduce_sum3A_484 [1, 2] : vector<1x512x1xf32> to vector<1xf32>
    %reduce_sum3A_486 = vector.shape_cast %reduce_sum3A_485 : vector<1xf32> to vector<1x1x1xf32>
    %reduce_sum3A_487 = vector.extract %reduce_sum3A_486[0, 0, 0] : f32 from vector<1x1x1xf32>
    %add3A_488 = arith.addf %add3A_369, %reduce_sum3A_487 : f32
    %reduce_sum3A_489 = vector.shape_cast %slice3A_464 : vector<512x1xf32> to vector<1x512x1xf32>
    %reduce_sum3A_490 = arith.constant dense<0.000000e+00> : vector<1xf32>
    %reduce_sum3A_491 = vector.multi_reduction <add>, %reduce_sum3A_489, %reduce_sum3A_490 [1, 2] : vector<1x512x1xf32> to vector<1xf32>
    %reduce_sum3A_492 = vector.shape_cast %reduce_sum3A_491 : vector<1xf32> to vector<1x1x1xf32>
    %reduce_sum3A_493 = vector.extract %reduce_sum3A_492[0, 0, 0] : f32 from vector<1x1x1xf32>
    %add3A_494 = arith.addf %add3A_375, %reduce_sum3A_493 : f32
    %eq3A_495 = arith.cmpf oeq, %slice3A_465, %slice3A_465 : vector<512x1xf32>
    %jit3A_496 = arith.constant 0.000000e+00 : f32
    %broadcast_in_dim3A_497 = vector.broadcast %jit3A_496 : f32 to vector<512x1xf32>
    %select_n3A_498 = arith.select %eq3A_495, %slice3A_465, %broadcast_in_dim3A_497 : vector<512x1xi1>, vector<512x1xf32>
    %reduce_sum3A_499 = vector.shape_cast %select_n3A_498 : vector<512x1xf32> to vector<1x512x1xf32>
    %reduce_sum3A_500 = arith.constant dense<0.000000e+00> : vector<1xf32>
    %reduce_sum3A_501 = vector.multi_reduction <add>, %reduce_sum3A_499, %reduce_sum3A_500 [1, 2] : vector<1x512x1xf32> to vector<1xf32>
    %reduce_sum3A_502 = vector.shape_cast %reduce_sum3A_501 : vector<1xf32> to vector<1x1x1xf32>
    %reduce_sum3A_503 = vector.extract %reduce_sum3A_502[0, 0, 0] : f32 from vector<1x1x1xf32>
    %add3A_504 = arith.addf %add3A_385, %reduce_sum3A_503 : f32
    %reduce_sum3A_505 = vector.shape_cast %convert_element_type3A_468 : vector<512x1xf32> to vector<1x512x1xf32>
    %reduce_sum3A_506 = arith.constant dense<0.000000e+00> : vector<1xf32>
    %reduce_sum3A_507 = vector.multi_reduction <add>, %reduce_sum3A_505, %reduce_sum3A_506 [1, 2] : vector<1x512x1xf32> to vector<1xf32>
    %reduce_sum3A_508 = vector.shape_cast %reduce_sum3A_507 : vector<1xf32> to vector<1x1x1xf32>
    %reduce_sum3A_509 = vector.extract %reduce_sum3A_508[0, 0, 0] : f32 from vector<1x1x1xf32>
    %add3A_510 = arith.addf %add3A_391, %reduce_sum3A_509 : f32
    %slice3A_511 = vector.extract_strided_slice %select_n3A {offsets = [2048, 0], sizes = [512, 11], strides = [1, 1]} : vector<4096x11xf32> to vector<512x11xf32>
    %slice3A_512 = vector.extract_strided_slice %slice3A_511 {offsets = [0, 0], sizes = [512, 3], strides = [1, 1]} : vector<512x11xf32> to vector<512x3xf32>
    %slice3A_513 = vector.extract_strided_slice %slice3A_511 {offsets = [0, 3], sizes = [512, 3], strides = [1, 1]} : vector<512x11xf32> to vector<512x3xf32>
    %add3A_514 = arith.addf %slice3A_512, %slice3A_513 : vector<512x3xf32>
    %dot_general3A_515 = arith.constant dense<0.000000e+00> : vector<512x4096xf32>
    %dot_general3A_516 = tpu.matmul %add3A_514, %select_n3A_20, %dot_general3A_515 {dimension_numbers = #tpu.dot_dimension_numbers<[1], [0], [0], [1], [0, 0, 1, 1], [], []>, transpose_lhs_hint = false} : vector<512x3xf32>, vector<3x4096xf32>, vector<512x4096xf32> -> vector<512x4096xf32>
    %mul3A_517 = arith.constant 2.000000e+00 : f32
    %mul3A_518 = vector.broadcast %mul3A_517 : f32 to vector<512x4096xf32>
    %mul3A_519 = arith.mulf %mul3A_518, %dot_general3A_516 : vector<512x4096xf32>
    %sub3A_520 = vector.broadcast %select_n3A_31 : vector<1x4096xf32> to vector<512x4096xf32>
    %sub3A_521 = arith.subf %sub3A_520, %mul3A_519 : vector<512x4096xf32>
    %reduce_min3A_522 = arith.constant dense<0x7F800000> : vector<512xf32>
    %reduce_min3A_523 = vector.multi_reduction <minimumf>, %sub3A_521, %reduce_min3A_522 [1] : vector<512x4096xf32> to vector<512xf32>
    %broadcast_in_dim3A_524 = vector.shape_cast %reduce_min3A_523 : vector<512xf32> to vector<512x1xf32>
    %mul3A_525 = arith.mulf %add3A_514, %add3A_514 : vector<512x3xf32>
    %reduce_sum3A_526 = arith.constant dense<0.000000e+00> : vector<512xf32>
    %reduce_sum3A_527 = vector.multi_reduction <add>, %mul3A_525, %reduce_sum3A_526 [1] : vector<512x3xf32> to vector<512xf32>
    %broadcast_in_dim3A_528 = vector.shape_cast %reduce_sum3A_527 : vector<512xf32> to vector<512x1xf32>
    %add3A_529 = arith.addf %broadcast_in_dim3A_528, %broadcast_in_dim3A_524 : vector<512x1xf32>
    %max3A_530 = arith.constant 0.000000e+00 : f32
    %max3A_531 = vector.broadcast %max3A_530 : f32 to vector<512x1xf32>
    %max3A_532 = arith.maximumf %add3A_529, %max3A_531 : vector<512x1xf32>
    %iota3A_533 = tpu.iota {dimensions = array<i32: 1>} : vector<512x4096xi32>
    %eq3A_534 = vector.broadcast %broadcast_in_dim3A_524 : vector<512x1xf32> to vector<512x4096xf32>
    %eq3A_535 = arith.cmpf oeq, %sub3A_521, %eq3A_534 : vector<512x4096xf32>
    %jit3A_536 = arith.constant 4096 : i32
    %broadcast_in_dim3A_537 = vector.broadcast %jit3A_536 : i32 to vector<512x4096xi32>
    %select_n3A_538 = arith.select %eq3A_535, %iota3A_533, %broadcast_in_dim3A_537 : vector<512x4096xi1>, vector<512x4096xi32>
    %reduce_min3A_539 = arith.constant dense<2147483647> : vector<512xi32>
    %reduce_min3A_540 = vector.multi_reduction <minsi>, %select_n3A_538, %reduce_min3A_539 [1] : vector<512x4096xi32> to vector<512xi32>
    %broadcast_in_dim3A_541 = vector.shape_cast %reduce_min3A_540 : vector<512xi32> to vector<512x1xi32>
    %mul3A_542 = arith.constant 4096 : i32
    %mul3A_543 = arith.muli %arg0, %mul3A_542 : i32
    %add3A_544 = vector.broadcast %mul3A_543 : i32 to vector<512x1xi32>
    %add3A_545 = arith.addi %broadcast_in_dim3A_541, %add3A_544 : vector<512x1xi32>
    %swap3A_546 = arith.constant 0 : index
    %swap3A_547 = arith.constant 2048 : index
    %swap3A_548 = arith.constant 0 : index
    %swap3A_549 = vector.load %arg10[%swap3A_546, %swap3A_547, %swap3A_548] : memref<1x4096x1xi32, #tpu.memory_space<vmem>>, vector<1x512x1xi32>
    %swap3A_550 = vector.shape_cast %swap3A_549 : vector<1x512x1xi32> to vector<512x1xi32>
    %swap3A_551 = vector.shape_cast %add3A_545 : vector<512x1xi32> to vector<1x512x1xi32>
    tpu.vector_store %arg10[%swap3A_546, %swap3A_547, %swap3A_548], %swap3A_551 {strides = array<i32>} : memref<1x4096x1xi32, #tpu.memory_space<vmem>>, vector<1x512x1xi32>,
    %slice3A_552 = vector.extract_strided_slice %add3A_514 {offsets = [0, 0], sizes = [512, 1], strides = [1, 1]} : vector<512x3xf32> to vector<512x1xf32>
    %slice3A_553 = vector.extract_strided_slice %add3A_514 {offsets = [0, 1], sizes = [512, 1], strides = [1, 1]} : vector<512x3xf32> to vector<512x1xf32>
    %ge3A_554 = arith.constant -3.200000e+01 : f32
    %ge3A_555 = vector.broadcast %ge3A_554 : f32 to vector<512x1xf32>
    %ge3A_556 = arith.cmpf oge, %slice3A_552, %ge3A_555 : vector<512x1xf32>
    %le3A_557 = arith.constant 3.200000e+01 : f32
    %le3A_558 = vector.broadcast %le3A_557 : f32 to vector<512x1xf32>
    %le3A_559 = arith.cmpf ole, %slice3A_552, %le3A_558 : vector<512x1xf32>
    %and3A_560 = arith.andi %ge3A_556, %le3A_559 : vector<512x1xi1>
    %ge3A_561 = arith.constant -3.200000e+01 : f32
    %ge3A_562 = vector.broadcast %ge3A_561 : f32 to vector<512x1xf32>
    %ge3A_563 = arith.cmpf oge, %slice3A_553, %ge3A_562 : vector<512x1xf32>
    %and3A_564 = arith.andi %and3A_560, %ge3A_563 : vector<512x1xi1>
    %le3A_565 = arith.constant 3.200000e+01 : f32
    %le3A_566 = vector.broadcast %le3A_565 : f32 to vector<512x1xf32>
    %le3A_567 = arith.cmpf ole, %slice3A_553, %le3A_566 : vector<512x1xf32>
    %and3A_568 = arith.andi %and3A_564, %le3A_567 : vector<512x1xi1>
    %convert_element_type3A_569 = arith.extui %and3A_568 : vector<512x1xi1> to vector<512x1xi32>
    %convert_element_type3A_570 = arith.sitofp %convert_element_type3A_569 : vector<512x1xi32> to vector<512x1xf32>
    %dot_general3A_571 = arith.constant dense<0.000000e+00> : vector<512x3xf32>
    %dot_general3A_572 = tpu.matmul %slice3A_512, %slice3A, %dot_general3A_571 {dimension_numbers = #tpu.dot_dimension_numbers<[1], [1], [0], [0], [0, 0, 1, 0], [], []>, transpose_lhs_hint = false} : vector<512x3xf32>, vector<3x3xf32>, vector<512x3xf32> -> vector<512x3xf32>
    %broadcast_in_dim3A_573 = vector.shape_cast %squeeze3A : vector<3xf32> to vector<1x3xf32>
    %add3A_574 = vector.broadcast %broadcast_in_dim3A_573 : vector<1x3xf32> to vector<512x3xf32>
    %add3A_575 = arith.addf %dot_general3A_572, %add3A_574 : vector<512x3xf32>
    %sub3A_576 = arith.subf %add3A_575, %slice3A_512 : vector<512x3xf32>
    %slice3A_577 = vector.extract_strided_slice %slice3A_511 {offsets = [0, 6], sizes = [512, 3], strides = [1, 1]} : vector<512x11xf32> to vector<512x3xf32>
    %sub3A_578 = arith.subf %slice3A_577, %sub3A_576 : vector<512x3xf32>
    %mul3A_579 = arith.mulf %sub3A_578, %sub3A_578 : vector<512x3xf32>
    %reduce_sum3A_580 = arith.constant dense<0.000000e+00> : vector<512xf32>
    %reduce_sum3A_581 = vector.multi_reduction <add>, %mul3A_579, %reduce_sum3A_580 [1] : vector<512x3xf32> to vector<512xf32>
    %broadcast_in_dim3A_582 = vector.shape_cast %reduce_sum3A_581 : vector<512xf32> to vector<512x1xf32>
    %slice3A_583 = vector.extract_strided_slice %slice3A_511 {offsets = [0, 9], sizes = [512, 1], strides = [1, 1]} : vector<512x11xf32> to vector<512x1xf32>
    %slice3A_584 = vector.extract_strided_slice %slice3A_511 {offsets = [0, 10], sizes = [512, 1], strides = [1, 1]} : vector<512x11xf32> to vector<512x1xf32>
    %eq3A_585 = arith.cmpf oeq, %slice3A_584, %slice3A_584 : vector<512x1xf32>
    %convert_element_type3A_586 = arith.extui %eq3A_585 : vector<512x1xi1> to vector<512x1xi32>
    %convert_element_type3A_587 = arith.sitofp %convert_element_type3A_586 : vector<512x1xi32> to vector<512x1xf32>
    %mul3A_588 = arith.mulf %convert_element_type3A_570, %max3A_532 : vector<512x1xf32>
    %reduce_sum3A_589 = vector.shape_cast %mul3A_588 : vector<512x1xf32> to vector<1x512x1xf32>
    %reduce_sum3A_590 = arith.constant dense<0.000000e+00> : vector<1xf32>
    %reduce_sum3A_591 = vector.multi_reduction <add>, %reduce_sum3A_589, %reduce_sum3A_590 [1, 2] : vector<1x512x1xf32> to vector<1xf32>
    %reduce_sum3A_592 = vector.shape_cast %reduce_sum3A_591 : vector<1xf32> to vector<1x1x1xf32>
    %reduce_sum3A_593 = vector.extract %reduce_sum3A_592[0, 0, 0] : f32 from vector<1x1x1xf32>
    %add3A_594 = arith.addf %add3A_475, %reduce_sum3A_593 : f32
    %reduce_sum3A_595 = vector.shape_cast %convert_element_type3A_570 : vector<512x1xf32> to vector<1x512x1xf32>
    %reduce_sum3A_596 = arith.constant dense<0.000000e+00> : vector<1xf32>
    %reduce_sum3A_597 = vector.multi_reduction <add>, %reduce_sum3A_595, %reduce_sum3A_596 [1, 2] : vector<1x512x1xf32> to vector<1xf32>
    %reduce_sum3A_598 = vector.shape_cast %reduce_sum3A_597 : vector<1xf32> to vector<1x1x1xf32>
    %reduce_sum3A_599 = vector.extract %reduce_sum3A_598[0, 0, 0] : f32 from vector<1x1x1xf32>
    %add3A_600 = arith.addf %add3A_481, %reduce_sum3A_599 : f32
    %mul3A_601 = arith.mulf %slice3A_583, %broadcast_in_dim3A_582 : vector<512x1xf32>
    %reduce_sum3A_602 = vector.shape_cast %mul3A_601 : vector<512x1xf32> to vector<1x512x1xf32>
    %reduce_sum3A_603 = arith.constant dense<0.000000e+00> : vector<1xf32>
    %reduce_sum3A_604 = vector.multi_reduction <add>, %reduce_sum3A_602, %reduce_sum3A_603 [1, 2] : vector<1x512x1xf32> to vector<1xf32>
    %reduce_sum3A_605 = vector.shape_cast %reduce_sum3A_604 : vector<1xf32> to vector<1x1x1xf32>
    %reduce_sum3A_606 = vector.extract %reduce_sum3A_605[0, 0, 0] : f32 from vector<1x1x1xf32>
    %add3A_607 = arith.addf %add3A_488, %reduce_sum3A_606 : f32
    %reduce_sum3A_608 = vector.shape_cast %slice3A_583 : vector<512x1xf32> to vector<1x512x1xf32>
    %reduce_sum3A_609 = arith.constant dense<0.000000e+00> : vector<1xf32>
    %reduce_sum3A_610 = vector.multi_reduction <add>, %reduce_sum3A_608, %reduce_sum3A_609 [1, 2] : vector<1x512x1xf32> to vector<1xf32>
    %reduce_sum3A_611 = vector.shape_cast %reduce_sum3A_610 : vector<1xf32> to vector<1x1x1xf32>
    %reduce_sum3A_612 = vector.extract %reduce_sum3A_611[0, 0, 0] : f32 from vector<1x1x1xf32>
    %add3A_613 = arith.addf %add3A_494, %reduce_sum3A_612 : f32
    %eq3A_614 = arith.cmpf oeq, %slice3A_584, %slice3A_584 : vector<512x1xf32>
    %jit3A_615 = arith.constant 0.000000e+00 : f32
    %broadcast_in_dim3A_616 = vector.broadcast %jit3A_615 : f32 to vector<512x1xf32>
    %select_n3A_617 = arith.select %eq3A_614, %slice3A_584, %broadcast_in_dim3A_616 : vector<512x1xi1>, vector<512x1xf32>
    %reduce_sum3A_618 = vector.shape_cast %select_n3A_617 : vector<512x1xf32> to vector<1x512x1xf32>
    %reduce_sum3A_619 = arith.constant dense<0.000000e+00> : vector<1xf32>
    %reduce_sum3A_620 = vector.multi_reduction <add>, %reduce_sum3A_618, %reduce_sum3A_619 [1, 2] : vector<1x512x1xf32> to vector<1xf32>
    %reduce_sum3A_621 = vector.shape_cast %reduce_sum3A_620 : vector<1xf32> to vector<1x1x1xf32>
    %reduce_sum3A_622 = vector.extract %reduce_sum3A_621[0, 0, 0] : f32 from vector<1x1x1xf32>
    %add3A_623 = arith.addf %add3A_504, %reduce_sum3A_622 : f32
    %reduce_sum3A_624 = vector.shape_cast %convert_element_type3A_587 : vector<512x1xf32> to vector<1x512x1xf32>
    %reduce_sum3A_625 = arith.constant dense<0.000000e+00> : vector<1xf32>
    %reduce_sum3A_626 = vector.multi_reduction <add>, %reduce_sum3A_624, %reduce_sum3A_625 [1, 2] : vector<1x512x1xf32> to vector<1xf32>
    %reduce_sum3A_627 = vector.shape_cast %reduce_sum3A_626 : vector<1xf32> to vector<1x1x1xf32>
    %reduce_sum3A_628 = vector.extract %reduce_sum3A_627[0, 0, 0] : f32 from vector<1x1x1xf32>
    %add3A_629 = arith.addf %add3A_510, %reduce_sum3A_628 : f32
    %slice3A_630 = vector.extract_strided_slice %select_n3A {offsets = [2560, 0], sizes = [512, 11], strides = [1, 1]} : vector<4096x11xf32> to vector<512x11xf32>
    %slice3A_631 = vector.extract_strided_slice %slice3A_630 {offsets = [0, 0], sizes = [512, 3], strides = [1, 1]} : vector<512x11xf32> to vector<512x3xf32>
    %slice3A_632 = vector.extract_strided_slice %slice3A_630 {offsets = [0, 3], sizes = [512, 3], strides = [1, 1]} : vector<512x11xf32> to vector<512x3xf32>
    %add3A_633 = arith.addf %slice3A_631, %slice3A_632 : vector<512x3xf32>
    %dot_general3A_634 = arith.constant dense<0.000000e+00> : vector<512x4096xf32>
    %dot_general3A_635 = tpu.matmul %add3A_633, %select_n3A_20, %dot_general3A_634 {dimension_numbers = #tpu.dot_dimension_numbers<[1], [0], [0], [1], [0, 0, 1, 1], [], []>, transpose_lhs_hint = false} : vector<512x3xf32>, vector<3x4096xf32>, vector<512x4096xf32> -> vector<512x4096xf32>
    %mul3A_636 = arith.constant 2.000000e+00 : f32
    %mul3A_637 = vector.broadcast %mul3A_636 : f32 to vector<512x4096xf32>
    %mul3A_638 = arith.mulf %mul3A_637, %dot_general3A_635 : vector<512x4096xf32>
    %sub3A_639 = vector.broadcast %select_n3A_31 : vector<1x4096xf32> to vector<512x4096xf32>
    %sub3A_640 = arith.subf %sub3A_639, %mul3A_638 : vector<512x4096xf32>
    %reduce_min3A_641 = arith.constant dense<0x7F800000> : vector<512xf32>
    %reduce_min3A_642 = vector.multi_reduction <minimumf>, %sub3A_640, %reduce_min3A_641 [1] : vector<512x4096xf32> to vector<512xf32>
    %broadcast_in_dim3A_643 = vector.shape_cast %reduce_min3A_642 : vector<512xf32> to vector<512x1xf32>
    %mul3A_644 = arith.mulf %add3A_633, %add3A_633 : vector<512x3xf32>
    %reduce_sum3A_645 = arith.constant dense<0.000000e+00> : vector<512xf32>
    %reduce_sum3A_646 = vector.multi_reduction <add>, %mul3A_644, %reduce_sum3A_645 [1] : vector<512x3xf32> to vector<512xf32>
    %broadcast_in_dim3A_647 = vector.shape_cast %reduce_sum3A_646 : vector<512xf32> to vector<512x1xf32>
    %add3A_648 = arith.addf %broadcast_in_dim3A_647, %broadcast_in_dim3A_643 : vector<512x1xf32>
    %max3A_649 = arith.constant 0.000000e+00 : f32
    %max3A_650 = vector.broadcast %max3A_649 : f32 to vector<512x1xf32>
    %max3A_651 = arith.maximumf %add3A_648, %max3A_650 : vector<512x1xf32>
    %iota3A_652 = tpu.iota {dimensions = array<i32: 1>} : vector<512x4096xi32>
    %eq3A_653 = vector.broadcast %broadcast_in_dim3A_643 : vector<512x1xf32> to vector<512x4096xf32>
    %eq3A_654 = arith.cmpf oeq, %sub3A_640, %eq3A_653 : vector<512x4096xf32>
    %jit3A_655 = arith.constant 4096 : i32
    %broadcast_in_dim3A_656 = vector.broadcast %jit3A_655 : i32 to vector<512x4096xi32>
    %select_n3A_657 = arith.select %eq3A_654, %iota3A_652, %broadcast_in_dim3A_656 : vector<512x4096xi1>, vector<512x4096xi32>
    %reduce_min3A_658 = arith.constant dense<2147483647> : vector<512xi32>
    %reduce_min3A_659 = vector.multi_reduction <minsi>, %select_n3A_657, %reduce_min3A_658 [1] : vector<512x4096xi32> to vector<512xi32>
    %broadcast_in_dim3A_660 = vector.shape_cast %reduce_min3A_659 : vector<512xi32> to vector<512x1xi32>
    %mul3A_661 = arith.constant 4096 : i32
    %mul3A_662 = arith.muli %arg0, %mul3A_661 : i32
    %add3A_663 = vector.broadcast %mul3A_662 : i32 to vector<512x1xi32>
    %add3A_664 = arith.addi %broadcast_in_dim3A_660, %add3A_663 : vector<512x1xi32>
    %swap3A_665 = arith.constant 0 : index
    %swap3A_666 = arith.constant 2560 : index
    %swap3A_667 = arith.constant 0 : index
    %swap3A_668 = vector.load %arg10[%swap3A_665, %swap3A_666, %swap3A_667] : memref<1x4096x1xi32, #tpu.memory_space<vmem>>, vector<1x512x1xi32>
    %swap3A_669 = vector.shape_cast %swap3A_668 : vector<1x512x1xi32> to vector<512x1xi32>
    %swap3A_670 = vector.shape_cast %add3A_664 : vector<512x1xi32> to vector<1x512x1xi32>
    tpu.vector_store %arg10[%swap3A_665, %swap3A_666, %swap3A_667], %swap3A_670 {strides = array<i32>} : memref<1x4096x1xi32, #tpu.memory_space<vmem>>, vector<1x512x1xi32>,
    %slice3A_671 = vector.extract_strided_slice %add3A_633 {offsets = [0, 0], sizes = [512, 1], strides = [1, 1]} : vector<512x3xf32> to vector<512x1xf32>
    %slice3A_672 = vector.extract_strided_slice %add3A_633 {offsets = [0, 1], sizes = [512, 1], strides = [1, 1]} : vector<512x3xf32> to vector<512x1xf32>
    %ge3A_673 = arith.constant -3.200000e+01 : f32
    %ge3A_674 = vector.broadcast %ge3A_673 : f32 to vector<512x1xf32>
    %ge3A_675 = arith.cmpf oge, %slice3A_671, %ge3A_674 : vector<512x1xf32>
    %le3A_676 = arith.constant 3.200000e+01 : f32
    %le3A_677 = vector.broadcast %le3A_676 : f32 to vector<512x1xf32>
    %le3A_678 = arith.cmpf ole, %slice3A_671, %le3A_677 : vector<512x1xf32>
    %and3A_679 = arith.andi %ge3A_675, %le3A_678 : vector<512x1xi1>
    %ge3A_680 = arith.constant -3.200000e+01 : f32
    %ge3A_681 = vector.broadcast %ge3A_680 : f32 to vector<512x1xf32>
    %ge3A_682 = arith.cmpf oge, %slice3A_672, %ge3A_681 : vector<512x1xf32>
    %and3A_683 = arith.andi %and3A_679, %ge3A_682 : vector<512x1xi1>
    %le3A_684 = arith.constant 3.200000e+01 : f32
    %le3A_685 = vector.broadcast %le3A_684 : f32 to vector<512x1xf32>
    %le3A_686 = arith.cmpf ole, %slice3A_672, %le3A_685 : vector<512x1xf32>
    %and3A_687 = arith.andi %and3A_683, %le3A_686 : vector<512x1xi1>
    %convert_element_type3A_688 = arith.extui %and3A_687 : vector<512x1xi1> to vector<512x1xi32>
    %convert_element_type3A_689 = arith.sitofp %convert_element_type3A_688 : vector<512x1xi32> to vector<512x1xf32>
    %dot_general3A_690 = arith.constant dense<0.000000e+00> : vector<512x3xf32>
    %dot_general3A_691 = tpu.matmul %slice3A_631, %slice3A, %dot_general3A_690 {dimension_numbers = #tpu.dot_dimension_numbers<[1], [1], [0], [0], [0, 0, 1, 0], [], []>, transpose_lhs_hint = false} : vector<512x3xf32>, vector<3x3xf32>, vector<512x3xf32> -> vector<512x3xf32>
    %broadcast_in_dim3A_692 = vector.shape_cast %squeeze3A : vector<3xf32> to vector<1x3xf32>
    %add3A_693 = vector.broadcast %broadcast_in_dim3A_692 : vector<1x3xf32> to vector<512x3xf32>
    %add3A_694 = arith.addf %dot_general3A_691, %add3A_693 : vector<512x3xf32>
    %sub3A_695 = arith.subf %add3A_694, %slice3A_631 : vector<512x3xf32>
    %slice3A_696 = vector.extract_strided_slice %slice3A_630 {offsets = [0, 6], sizes = [512, 3], strides = [1, 1]} : vector<512x11xf32> to vector<512x3xf32>
    %sub3A_697 = arith.subf %slice3A_696, %sub3A_695 : vector<512x3xf32>
    %mul3A_698 = arith.mulf %sub3A_697, %sub3A_697 : vector<512x3xf32>
    %reduce_sum3A_699 = arith.constant dense<0.000000e+00> : vector<512xf32>
    %reduce_sum3A_700 = vector.multi_reduction <add>, %mul3A_698, %reduce_sum3A_699 [1] : vector<512x3xf32> to vector<512xf32>
    %broadcast_in_dim3A_701 = vector.shape_cast %reduce_sum3A_700 : vector<512xf32> to vector<512x1xf32>
    %slice3A_702 = vector.extract_strided_slice %slice3A_630 {offsets = [0, 9], sizes = [512, 1], strides = [1, 1]} : vector<512x11xf32> to vector<512x1xf32>
    %slice3A_703 = vector.extract_strided_slice %slice3A_630 {offsets = [0, 10], sizes = [512, 1], strides = [1, 1]} : vector<512x11xf32> to vector<512x1xf32>
    %eq3A_704 = arith.cmpf oeq, %slice3A_703, %slice3A_703 : vector<512x1xf32>
    %convert_element_type3A_705 = arith.extui %eq3A_704 : vector<512x1xi1> to vector<512x1xi32>
    %convert_element_type3A_706 = arith.sitofp %convert_element_type3A_705 : vector<512x1xi32> to vector<512x1xf32>
    %mul3A_707 = arith.mulf %convert_element_type3A_689, %max3A_651 : vector<512x1xf32>
    %reduce_sum3A_708 = vector.shape_cast %mul3A_707 : vector<512x1xf32> to vector<1x512x1xf32>
    %reduce_sum3A_709 = arith.constant dense<0.000000e+00> : vector<1xf32>
    %reduce_sum3A_710 = vector.multi_reduction <add>, %reduce_sum3A_708, %reduce_sum3A_709 [1, 2] : vector<1x512x1xf32> to vector<1xf32>
    %reduce_sum3A_711 = vector.shape_cast %reduce_sum3A_710 : vector<1xf32> to vector<1x1x1xf32>
    %reduce_sum3A_712 = vector.extract %reduce_sum3A_711[0, 0, 0] : f32 from vector<1x1x1xf32>
    %add3A_713 = arith.addf %add3A_594, %reduce_sum3A_712 : f32
    %reduce_sum3A_714 = vector.shape_cast %convert_element_type3A_689 : vector<512x1xf32> to vector<1x512x1xf32>
    %reduce_sum3A_715 = arith.constant dense<0.000000e+00> : vector<1xf32>
    %reduce_sum3A_716 = vector.multi_reduction <add>, %reduce_sum3A_714, %reduce_sum3A_715 [1, 2] : vector<1x512x1xf32> to vector<1xf32>
    %reduce_sum3A_717 = vector.shape_cast %reduce_sum3A_716 : vector<1xf32> to vector<1x1x1xf32>
    %reduce_sum3A_718 = vector.extract %reduce_sum3A_717[0, 0, 0] : f32 from vector<1x1x1xf32>
    %add3A_719 = arith.addf %add3A_600, %reduce_sum3A_718 : f32
    %mul3A_720 = arith.mulf %slice3A_702, %broadcast_in_dim3A_701 : vector<512x1xf32>
    %reduce_sum3A_721 = vector.shape_cast %mul3A_720 : vector<512x1xf32> to vector<1x512x1xf32>
    %reduce_sum3A_722 = arith.constant dense<0.000000e+00> : vector<1xf32>
    %reduce_sum3A_723 = vector.multi_reduction <add>, %reduce_sum3A_721, %reduce_sum3A_722 [1, 2] : vector<1x512x1xf32> to vector<1xf32>
    %reduce_sum3A_724 = vector.shape_cast %reduce_sum3A_723 : vector<1xf32> to vector<1x1x1xf32>
    %reduce_sum3A_725 = vector.extract %reduce_sum3A_724[0, 0, 0] : f32 from vector<1x1x1xf32>
    %add3A_726 = arith.addf %add3A_607, %reduce_sum3A_725 : f32
    %reduce_sum3A_727 = vector.shape_cast %slice3A_702 : vector<512x1xf32> to vector<1x512x1xf32>
    %reduce_sum3A_728 = arith.constant dense<0.000000e+00> : vector<1xf32>
    %reduce_sum3A_729 = vector.multi_reduction <add>, %reduce_sum3A_727, %reduce_sum3A_728 [1, 2] : vector<1x512x1xf32> to vector<1xf32>
    %reduce_sum3A_730 = vector.shape_cast %reduce_sum3A_729 : vector<1xf32> to vector<1x1x1xf32>
    %reduce_sum3A_731 = vector.extract %reduce_sum3A_730[0, 0, 0] : f32 from vector<1x1x1xf32>
    %add3A_732 = arith.addf %add3A_613, %reduce_sum3A_731 : f32
    %eq3A_733 = arith.cmpf oeq, %slice3A_703, %slice3A_703 : vector<512x1xf32>
    %jit3A_734 = arith.constant 0.000000e+00 : f32
    %broadcast_in_dim3A_735 = vector.broadcast %jit3A_734 : f32 to vector<512x1xf32>
    %select_n3A_736 = arith.select %eq3A_733, %slice3A_703, %broadcast_in_dim3A_735 : vector<512x1xi1>, vector<512x1xf32>
    %reduce_sum3A_737 = vector.shape_cast %select_n3A_736 : vector<512x1xf32> to vector<1x512x1xf32>
    %reduce_sum3A_738 = arith.constant dense<0.000000e+00> : vector<1xf32>
    %reduce_sum3A_739 = vector.multi_reduction <add>, %reduce_sum3A_737, %reduce_sum3A_738 [1, 2] : vector<1x512x1xf32> to vector<1xf32>
    %reduce_sum3A_740 = vector.shape_cast %reduce_sum3A_739 : vector<1xf32> to vector<1x1x1xf32>
    %reduce_sum3A_741 = vector.extract %reduce_sum3A_740[0, 0, 0] : f32 from vector<1x1x1xf32>
    %add3A_742 = arith.addf %add3A_623, %reduce_sum3A_741 : f32
    %reduce_sum3A_743 = vector.shape_cast %convert_element_type3A_706 : vector<512x1xf32> to vector<1x512x1xf32>
    %reduce_sum3A_744 = arith.constant dense<0.000000e+00> : vector<1xf32>
    %reduce_sum3A_745 = vector.multi_reduction <add>, %reduce_sum3A_743, %reduce_sum3A_744 [1, 2] : vector<1x512x1xf32> to vector<1xf32>
    %reduce_sum3A_746 = vector.shape_cast %reduce_sum3A_745 : vector<1xf32> to vector<1x1x1xf32>
    %reduce_sum3A_747 = vector.extract %reduce_sum3A_746[0, 0, 0] : f32 from vector<1x1x1xf32>
    %add3A_748 = arith.addf %add3A_629, %reduce_sum3A_747 : f32
    %slice3A_749 = vector.extract_strided_slice %select_n3A {offsets = [3072, 0], sizes = [512, 11], strides = [1, 1]} : vector<4096x11xf32> to vector<512x11xf32>
    %slice3A_750 = vector.extract_strided_slice %slice3A_749 {offsets = [0, 0], sizes = [512, 3], strides = [1, 1]} : vector<512x11xf32> to vector<512x3xf32>
    %slice3A_751 = vector.extract_strided_slice %slice3A_749 {offsets = [0, 3], sizes = [512, 3], strides = [1, 1]} : vector<512x11xf32> to vector<512x3xf32>
    %add3A_752 = arith.addf %slice3A_750, %slice3A_751 : vector<512x3xf32>
    %dot_general3A_753 = arith.constant dense<0.000000e+00> : vector<512x4096xf32>
    %dot_general3A_754 = tpu.matmul %add3A_752, %select_n3A_20, %dot_general3A_753 {dimension_numbers = #tpu.dot_dimension_numbers<[1], [0], [0], [1], [0, 0, 1, 1], [], []>, transpose_lhs_hint = false} : vector<512x3xf32>, vector<3x4096xf32>, vector<512x4096xf32> -> vector<512x4096xf32>
    %mul3A_755 = arith.constant 2.000000e+00 : f32
    %mul3A_756 = vector.broadcast %mul3A_755 : f32 to vector<512x4096xf32>
    %mul3A_757 = arith.mulf %mul3A_756, %dot_general3A_754 : vector<512x4096xf32>
    %sub3A_758 = vector.broadcast %select_n3A_31 : vector<1x4096xf32> to vector<512x4096xf32>
    %sub3A_759 = arith.subf %sub3A_758, %mul3A_757 : vector<512x4096xf32>
    %reduce_min3A_760 = arith.constant dense<0x7F800000> : vector<512xf32>
    %reduce_min3A_761 = vector.multi_reduction <minimumf>, %sub3A_759, %reduce_min3A_760 [1] : vector<512x4096xf32> to vector<512xf32>
    %broadcast_in_dim3A_762 = vector.shape_cast %reduce_min3A_761 : vector<512xf32> to vector<512x1xf32>
    %mul3A_763 = arith.mulf %add3A_752, %add3A_752 : vector<512x3xf32>
    %reduce_sum3A_764 = arith.constant dense<0.000000e+00> : vector<512xf32>
    %reduce_sum3A_765 = vector.multi_reduction <add>, %mul3A_763, %reduce_sum3A_764 [1] : vector<512x3xf32> to vector<512xf32>
    %broadcast_in_dim3A_766 = vector.shape_cast %reduce_sum3A_765 : vector<512xf32> to vector<512x1xf32>
    %add3A_767 = arith.addf %broadcast_in_dim3A_766, %broadcast_in_dim3A_762 : vector<512x1xf32>
    %max3A_768 = arith.constant 0.000000e+00 : f32
    %max3A_769 = vector.broadcast %max3A_768 : f32 to vector<512x1xf32>
    %max3A_770 = arith.maximumf %add3A_767, %max3A_769 : vector<512x1xf32>
    %iota3A_771 = tpu.iota {dimensions = array<i32: 1>} : vector<512x4096xi32>
    %eq3A_772 = vector.broadcast %broadcast_in_dim3A_762 : vector<512x1xf32> to vector<512x4096xf32>
    %eq3A_773 = arith.cmpf oeq, %sub3A_759, %eq3A_772 : vector<512x4096xf32>
    %jit3A_774 = arith.constant 4096 : i32
    %broadcast_in_dim3A_775 = vector.broadcast %jit3A_774 : i32 to vector<512x4096xi32>
    %select_n3A_776 = arith.select %eq3A_773, %iota3A_771, %broadcast_in_dim3A_775 : vector<512x4096xi1>, vector<512x4096xi32>
    %reduce_min3A_777 = arith.constant dense<2147483647> : vector<512xi32>
    %reduce_min3A_778 = vector.multi_reduction <minsi>, %select_n3A_776, %reduce_min3A_777 [1] : vector<512x4096xi32> to vector<512xi32>
    %broadcast_in_dim3A_779 = vector.shape_cast %reduce_min3A_778 : vector<512xi32> to vector<512x1xi32>
    %mul3A_780 = arith.constant 4096 : i32
    %mul3A_781 = arith.muli %arg0, %mul3A_780 : i32
    %add3A_782 = vector.broadcast %mul3A_781 : i32 to vector<512x1xi32>
    %add3A_783 = arith.addi %broadcast_in_dim3A_779, %add3A_782 : vector<512x1xi32>
    %swap3A_784 = arith.constant 0 : index
    %swap3A_785 = arith.constant 3072 : index
    %swap3A_786 = arith.constant 0 : index
    %swap3A_787 = vector.load %arg10[%swap3A_784, %swap3A_785, %swap3A_786] : memref<1x4096x1xi32, #tpu.memory_space<vmem>>, vector<1x512x1xi32>
    %swap3A_788 = vector.shape_cast %swap3A_787 : vector<1x512x1xi32> to vector<512x1xi32>
    %swap3A_789 = vector.shape_cast %add3A_783 : vector<512x1xi32> to vector<1x512x1xi32>
    tpu.vector_store %arg10[%swap3A_784, %swap3A_785, %swap3A_786], %swap3A_789 {strides = array<i32>} : memref<1x4096x1xi32, #tpu.memory_space<vmem>>, vector<1x512x1xi32>,
    %slice3A_790 = vector.extract_strided_slice %add3A_752 {offsets = [0, 0], sizes = [512, 1], strides = [1, 1]} : vector<512x3xf32> to vector<512x1xf32>
    %slice3A_791 = vector.extract_strided_slice %add3A_752 {offsets = [0, 1], sizes = [512, 1], strides = [1, 1]} : vector<512x3xf32> to vector<512x1xf32>
    %ge3A_792 = arith.constant -3.200000e+01 : f32
    %ge3A_793 = vector.broadcast %ge3A_792 : f32 to vector<512x1xf32>
    %ge3A_794 = arith.cmpf oge, %slice3A_790, %ge3A_793 : vector<512x1xf32>
    %le3A_795 = arith.constant 3.200000e+01 : f32
    %le3A_796 = vector.broadcast %le3A_795 : f32 to vector<512x1xf32>
    %le3A_797 = arith.cmpf ole, %slice3A_790, %le3A_796 : vector<512x1xf32>
    %and3A_798 = arith.andi %ge3A_794, %le3A_797 : vector<512x1xi1>
    %ge3A_799 = arith.constant -3.200000e+01 : f32
    %ge3A_800 = vector.broadcast %ge3A_799 : f32 to vector<512x1xf32>
    %ge3A_801 = arith.cmpf oge, %slice3A_791, %ge3A_800 : vector<512x1xf32>
    %and3A_802 = arith.andi %and3A_798, %ge3A_801 : vector<512x1xi1>
    %le3A_803 = arith.constant 3.200000e+01 : f32
    %le3A_804 = vector.broadcast %le3A_803 : f32 to vector<512x1xf32>
    %le3A_805 = arith.cmpf ole, %slice3A_791, %le3A_804 : vector<512x1xf32>
    %and3A_806 = arith.andi %and3A_802, %le3A_805 : vector<512x1xi1>
    %convert_element_type3A_807 = arith.extui %and3A_806 : vector<512x1xi1> to vector<512x1xi32>
    %convert_element_type3A_808 = arith.sitofp %convert_element_type3A_807 : vector<512x1xi32> to vector<512x1xf32>
    %dot_general3A_809 = arith.constant dense<0.000000e+00> : vector<512x3xf32>
    %dot_general3A_810 = tpu.matmul %slice3A_750, %slice3A, %dot_general3A_809 {dimension_numbers = #tpu.dot_dimension_numbers<[1], [1], [0], [0], [0, 0, 1, 0], [], []>, transpose_lhs_hint = false} : vector<512x3xf32>, vector<3x3xf32>, vector<512x3xf32> -> vector<512x3xf32>
    %broadcast_in_dim3A_811 = vector.shape_cast %squeeze3A : vector<3xf32> to vector<1x3xf32>
    %add3A_812 = vector.broadcast %broadcast_in_dim3A_811 : vector<1x3xf32> to vector<512x3xf32>
    %add3A_813 = arith.addf %dot_general3A_810, %add3A_812 : vector<512x3xf32>
    %sub3A_814 = arith.subf %add3A_813, %slice3A_750 : vector<512x3xf32>
    %slice3A_815 = vector.extract_strided_slice %slice3A_749 {offsets = [0, 6], sizes = [512, 3], strides = [1, 1]} : vector<512x11xf32> to vector<512x3xf32>
    %sub3A_816 = arith.subf %slice3A_815, %sub3A_814 : vector<512x3xf32>
    %mul3A_817 = arith.mulf %sub3A_816, %sub3A_816 : vector<512x3xf32>
    %reduce_sum3A_818 = arith.constant dense<0.000000e+00> : vector<512xf32>
    %reduce_sum3A_819 = vector.multi_reduction <add>, %mul3A_817, %reduce_sum3A_818 [1] : vector<512x3xf32> to vector<512xf32>
    %broadcast_in_dim3A_820 = vector.shape_cast %reduce_sum3A_819 : vector<512xf32> to vector<512x1xf32>
    %slice3A_821 = vector.extract_strided_slice %slice3A_749 {offsets = [0, 9], sizes = [512, 1], strides = [1, 1]} : vector<512x11xf32> to vector<512x1xf32>
    %slice3A_822 = vector.extract_strided_slice %slice3A_749 {offsets = [0, 10], sizes = [512, 1], strides = [1, 1]} : vector<512x11xf32> to vector<512x1xf32>
    %eq3A_823 = arith.cmpf oeq, %slice3A_822, %slice3A_822 : vector<512x1xf32>
    %convert_element_type3A_824 = arith.extui %eq3A_823 : vector<512x1xi1> to vector<512x1xi32>
    %convert_element_type3A_825 = arith.sitofp %convert_element_type3A_824 : vector<512x1xi32> to vector<512x1xf32>
    %mul3A_826 = arith.mulf %convert_element_type3A_808, %max3A_770 : vector<512x1xf32>
    %reduce_sum3A_827 = vector.shape_cast %mul3A_826 : vector<512x1xf32> to vector<1x512x1xf32>
    %reduce_sum3A_828 = arith.constant dense<0.000000e+00> : vector<1xf32>
    %reduce_sum3A_829 = vector.multi_reduction <add>, %reduce_sum3A_827, %reduce_sum3A_828 [1, 2] : vector<1x512x1xf32> to vector<1xf32>
    %reduce_sum3A_830 = vector.shape_cast %reduce_sum3A_829 : vector<1xf32> to vector<1x1x1xf32>
    %reduce_sum3A_831 = vector.extract %reduce_sum3A_830[0, 0, 0] : f32 from vector<1x1x1xf32>
    %add3A_832 = arith.addf %add3A_713, %reduce_sum3A_831 : f32
    %reduce_sum3A_833 = vector.shape_cast %convert_element_type3A_808 : vector<512x1xf32> to vector<1x512x1xf32>
    %reduce_sum3A_834 = arith.constant dense<0.000000e+00> : vector<1xf32>
    %reduce_sum3A_835 = vector.multi_reduction <add>, %reduce_sum3A_833, %reduce_sum3A_834 [1, 2] : vector<1x512x1xf32> to vector<1xf32>
    %reduce_sum3A_836 = vector.shape_cast %reduce_sum3A_835 : vector<1xf32> to vector<1x1x1xf32>
    %reduce_sum3A_837 = vector.extract %reduce_sum3A_836[0, 0, 0] : f32 from vector<1x1x1xf32>
    %add3A_838 = arith.addf %add3A_719, %reduce_sum3A_837 : f32
    %mul3A_839 = arith.mulf %slice3A_821, %broadcast_in_dim3A_820 : vector<512x1xf32>
    %reduce_sum3A_840 = vector.shape_cast %mul3A_839 : vector<512x1xf32> to vector<1x512x1xf32>
    %reduce_sum3A_841 = arith.constant dense<0.000000e+00> : vector<1xf32>
    %reduce_sum3A_842 = vector.multi_reduction <add>, %reduce_sum3A_840, %reduce_sum3A_841 [1, 2] : vector<1x512x1xf32> to vector<1xf32>
    %reduce_sum3A_843 = vector.shape_cast %reduce_sum3A_842 : vector<1xf32> to vector<1x1x1xf32>
    %reduce_sum3A_844 = vector.extract %reduce_sum3A_843[0, 0, 0] : f32 from vector<1x1x1xf32>
    %add3A_845 = arith.addf %add3A_726, %reduce_sum3A_844 : f32
    %reduce_sum3A_846 = vector.shape_cast %slice3A_821 : vector<512x1xf32> to vector<1x512x1xf32>
    %reduce_sum3A_847 = arith.constant dense<0.000000e+00> : vector<1xf32>
    %reduce_sum3A_848 = vector.multi_reduction <add>, %reduce_sum3A_846, %reduce_sum3A_847 [1, 2] : vector<1x512x1xf32> to vector<1xf32>
    %reduce_sum3A_849 = vector.shape_cast %reduce_sum3A_848 : vector<1xf32> to vector<1x1x1xf32>
    %reduce_sum3A_850 = vector.extract %reduce_sum3A_849[0, 0, 0] : f32 from vector<1x1x1xf32>
    %add3A_851 = arith.addf %add3A_732, %reduce_sum3A_850 : f32
    %eq3A_852 = arith.cmpf oeq, %slice3A_822, %slice3A_822 : vector<512x1xf32>
    %jit3A_853 = arith.constant 0.000000e+00 : f32
    %broadcast_in_dim3A_854 = vector.broadcast %jit3A_853 : f32 to vector<512x1xf32>
    %select_n3A_855 = arith.select %eq3A_852, %slice3A_822, %broadcast_in_dim3A_854 : vector<512x1xi1>, vector<512x1xf32>
    %reduce_sum3A_856 = vector.shape_cast %select_n3A_855 : vector<512x1xf32> to vector<1x512x1xf32>
    %reduce_sum3A_857 = arith.constant dense<0.000000e+00> : vector<1xf32>
    %reduce_sum3A_858 = vector.multi_reduction <add>, %reduce_sum3A_856, %reduce_sum3A_857 [1, 2] : vector<1x512x1xf32> to vector<1xf32>
    %reduce_sum3A_859 = vector.shape_cast %reduce_sum3A_858 : vector<1xf32> to vector<1x1x1xf32>
    %reduce_sum3A_860 = vector.extract %reduce_sum3A_859[0, 0, 0] : f32 from vector<1x1x1xf32>
    %add3A_861 = arith.addf %add3A_742, %reduce_sum3A_860 : f32
    %reduce_sum3A_862 = vector.shape_cast %convert_element_type3A_825 : vector<512x1xf32> to vector<1x512x1xf32>
    %reduce_sum3A_863 = arith.constant dense<0.000000e+00> : vector<1xf32>
    %reduce_sum3A_864 = vector.multi_reduction <add>, %reduce_sum3A_862, %reduce_sum3A_863 [1, 2] : vector<1x512x1xf32> to vector<1xf32>
    %reduce_sum3A_865 = vector.shape_cast %reduce_sum3A_864 : vector<1xf32> to vector<1x1x1xf32>
    %reduce_sum3A_866 = vector.extract %reduce_sum3A_865[0, 0, 0] : f32 from vector<1x1x1xf32>
    %add3A_867 = arith.addf %add3A_748, %reduce_sum3A_866 : f32
    %slice3A_868 = vector.extract_strided_slice %select_n3A {offsets = [3584, 0], sizes = [512, 11], strides = [1, 1]} : vector<4096x11xf32> to vector<512x11xf32>
    %slice3A_869 = vector.extract_strided_slice %slice3A_868 {offsets = [0, 0], sizes = [512, 3], strides = [1, 1]} : vector<512x11xf32> to vector<512x3xf32>
    %slice3A_870 = vector.extract_strided_slice %slice3A_868 {offsets = [0, 3], sizes = [512, 3], strides = [1, 1]} : vector<512x11xf32> to vector<512x3xf32>
    %add3A_871 = arith.addf %slice3A_869, %slice3A_870 : vector<512x3xf32>
    %dot_general3A_872 = arith.constant dense<0.000000e+00> : vector<512x4096xf32>
    %dot_general3A_873 = tpu.matmul %add3A_871, %select_n3A_20, %dot_general3A_872 {dimension_numbers = #tpu.dot_dimension_numbers<[1], [0], [0], [1], [0, 0, 1, 1], [], []>, transpose_lhs_hint = false} : vector<512x3xf32>, vector<3x4096xf32>, vector<512x4096xf32> -> vector<512x4096xf32>
    %mul3A_874 = arith.constant 2.000000e+00 : f32
    %mul3A_875 = vector.broadcast %mul3A_874 : f32 to vector<512x4096xf32>
    %mul3A_876 = arith.mulf %mul3A_875, %dot_general3A_873 : vector<512x4096xf32>
    %sub3A_877 = vector.broadcast %select_n3A_31 : vector<1x4096xf32> to vector<512x4096xf32>
    %sub3A_878 = arith.subf %sub3A_877, %mul3A_876 : vector<512x4096xf32>
    %reduce_min3A_879 = arith.constant dense<0x7F800000> : vector<512xf32>
    %reduce_min3A_880 = vector.multi_reduction <minimumf>, %sub3A_878, %reduce_min3A_879 [1] : vector<512x4096xf32> to vector<512xf32>
    %broadcast_in_dim3A_881 = vector.shape_cast %reduce_min3A_880 : vector<512xf32> to vector<512x1xf32>
    %mul3A_882 = arith.mulf %add3A_871, %add3A_871 : vector<512x3xf32>
    %reduce_sum3A_883 = arith.constant dense<0.000000e+00> : vector<512xf32>
    %reduce_sum3A_884 = vector.multi_reduction <add>, %mul3A_882, %reduce_sum3A_883 [1] : vector<512x3xf32> to vector<512xf32>
    %broadcast_in_dim3A_885 = vector.shape_cast %reduce_sum3A_884 : vector<512xf32> to vector<512x1xf32>
    %add3A_886 = arith.addf %broadcast_in_dim3A_885, %broadcast_in_dim3A_881 : vector<512x1xf32>
    %max3A_887 = arith.constant 0.000000e+00 : f32
    %max3A_888 = vector.broadcast %max3A_887 : f32 to vector<512x1xf32>
    %max3A_889 = arith.maximumf %add3A_886, %max3A_888 : vector<512x1xf32>
    %iota3A_890 = tpu.iota {dimensions = array<i32: 1>} : vector<512x4096xi32>
    %eq3A_891 = vector.broadcast %broadcast_in_dim3A_881 : vector<512x1xf32> to vector<512x4096xf32>
    %eq3A_892 = arith.cmpf oeq, %sub3A_878, %eq3A_891 : vector<512x4096xf32>
    %jit3A_893 = arith.constant 4096 : i32
    %broadcast_in_dim3A_894 = vector.broadcast %jit3A_893 : i32 to vector<512x4096xi32>
    %select_n3A_895 = arith.select %eq3A_892, %iota3A_890, %broadcast_in_dim3A_894 : vector<512x4096xi1>, vector<512x4096xi32>
    %reduce_min3A_896 = arith.constant dense<2147483647> : vector<512xi32>
    %reduce_min3A_897 = vector.multi_reduction <minsi>, %select_n3A_895, %reduce_min3A_896 [1] : vector<512x4096xi32> to vector<512xi32>
    %broadcast_in_dim3A_898 = vector.shape_cast %reduce_min3A_897 : vector<512xi32> to vector<512x1xi32>
    %mul3A_899 = arith.constant 4096 : i32
    %mul3A_900 = arith.muli %arg0, %mul3A_899 : i32
    %add3A_901 = vector.broadcast %mul3A_900 : i32 to vector<512x1xi32>
    %add3A_902 = arith.addi %broadcast_in_dim3A_898, %add3A_901 : vector<512x1xi32>
    %swap3A_903 = arith.constant 0 : index
    %swap3A_904 = arith.constant 3584 : index
    %swap3A_905 = arith.constant 0 : index
    %swap3A_906 = vector.load %arg10[%swap3A_903, %swap3A_904, %swap3A_905] : memref<1x4096x1xi32, #tpu.memory_space<vmem>>, vector<1x512x1xi32>
    %swap3A_907 = vector.shape_cast %swap3A_906 : vector<1x512x1xi32> to vector<512x1xi32>
    %swap3A_908 = vector.shape_cast %add3A_902 : vector<512x1xi32> to vector<1x512x1xi32>
    tpu.vector_store %arg10[%swap3A_903, %swap3A_904, %swap3A_905], %swap3A_908 {strides = array<i32>} : memref<1x4096x1xi32, #tpu.memory_space<vmem>>, vector<1x512x1xi32>,
    %slice3A_909 = vector.extract_strided_slice %add3A_871 {offsets = [0, 0], sizes = [512, 1], strides = [1, 1]} : vector<512x3xf32> to vector<512x1xf32>
    %slice3A_910 = vector.extract_strided_slice %add3A_871 {offsets = [0, 1], sizes = [512, 1], strides = [1, 1]} : vector<512x3xf32> to vector<512x1xf32>
    %ge3A_911 = arith.constant -3.200000e+01 : f32
    %ge3A_912 = vector.broadcast %ge3A_911 : f32 to vector<512x1xf32>
    %ge3A_913 = arith.cmpf oge, %slice3A_909, %ge3A_912 : vector<512x1xf32>
    %le3A_914 = arith.constant 3.200000e+01 : f32
    %le3A_915 = vector.broadcast %le3A_914 : f32 to vector<512x1xf32>
    %le3A_916 = arith.cmpf ole, %slice3A_909, %le3A_915 : vector<512x1xf32>
    %and3A_917 = arith.andi %ge3A_913, %le3A_916 : vector<512x1xi1>
    %ge3A_918 = arith.constant -3.200000e+01 : f32
    %ge3A_919 = vector.broadcast %ge3A_918 : f32 to vector<512x1xf32>
    %ge3A_920 = arith.cmpf oge, %slice3A_910, %ge3A_919 : vector<512x1xf32>
    %and3A_921 = arith.andi %and3A_917, %ge3A_920 : vector<512x1xi1>
    %le3A_922 = arith.constant 3.200000e+01 : f32
    %le3A_923 = vector.broadcast %le3A_922 : f32 to vector<512x1xf32>
    %le3A_924 = arith.cmpf ole, %slice3A_910, %le3A_923 : vector<512x1xf32>
    %and3A_925 = arith.andi %and3A_921, %le3A_924 : vector<512x1xi1>
    %convert_element_type3A_926 = arith.extui %and3A_925 : vector<512x1xi1> to vector<512x1xi32>
    %convert_element_type3A_927 = arith.sitofp %convert_element_type3A_926 : vector<512x1xi32> to vector<512x1xf32>
    %dot_general3A_928 = arith.constant dense<0.000000e+00> : vector<512x3xf32>
    %dot_general3A_929 = tpu.matmul %slice3A_869, %slice3A, %dot_general3A_928 {dimension_numbers = #tpu.dot_dimension_numbers<[1], [1], [0], [0], [0, 0, 1, 0], [], []>, transpose_lhs_hint = false} : vector<512x3xf32>, vector<3x3xf32>, vector<512x3xf32> -> vector<512x3xf32>
    %broadcast_in_dim3A_930 = vector.shape_cast %squeeze3A : vector<3xf32> to vector<1x3xf32>
    %add3A_931 = vector.broadcast %broadcast_in_dim3A_930 : vector<1x3xf32> to vector<512x3xf32>
    %add3A_932 = arith.addf %dot_general3A_929, %add3A_931 : vector<512x3xf32>
    %sub3A_933 = arith.subf %add3A_932, %slice3A_869 : vector<512x3xf32>
    %slice3A_934 = vector.extract_strided_slice %slice3A_868 {offsets = [0, 6], sizes = [512, 3], strides = [1, 1]} : vector<512x11xf32> to vector<512x3xf32>
    %sub3A_935 = arith.subf %slice3A_934, %sub3A_933 : vector<512x3xf32>
    %mul3A_936 = arith.mulf %sub3A_935, %sub3A_935 : vector<512x3xf32>
    %reduce_sum3A_937 = arith.constant dense<0.000000e+00> : vector<512xf32>
    %reduce_sum3A_938 = vector.multi_reduction <add>, %mul3A_936, %reduce_sum3A_937 [1] : vector<512x3xf32> to vector<512xf32>
    %broadcast_in_dim3A_939 = vector.shape_cast %reduce_sum3A_938 : vector<512xf32> to vector<512x1xf32>
    %slice3A_940 = vector.extract_strided_slice %slice3A_868 {offsets = [0, 9], sizes = [512, 1], strides = [1, 1]} : vector<512x11xf32> to vector<512x1xf32>
    %slice3A_941 = vector.extract_strided_slice %slice3A_868 {offsets = [0, 10], sizes = [512, 1], strides = [1, 1]} : vector<512x11xf32> to vector<512x1xf32>
    %eq3A_942 = arith.cmpf oeq, %slice3A_941, %slice3A_941 : vector<512x1xf32>
    %convert_element_type3A_943 = arith.extui %eq3A_942 : vector<512x1xi1> to vector<512x1xi32>
    %convert_element_type3A_944 = arith.sitofp %convert_element_type3A_943 : vector<512x1xi32> to vector<512x1xf32>
    %mul3A_945 = arith.mulf %convert_element_type3A_927, %max3A_889 : vector<512x1xf32>
    %reduce_sum3A_946 = vector.shape_cast %mul3A_945 : vector<512x1xf32> to vector<1x512x1xf32>
    %reduce_sum3A_947 = arith.constant dense<0.000000e+00> : vector<1xf32>
    %reduce_sum3A_948 = vector.multi_reduction <add>, %reduce_sum3A_946, %reduce_sum3A_947 [1, 2] : vector<1x512x1xf32> to vector<1xf32>
    %reduce_sum3A_949 = vector.shape_cast %reduce_sum3A_948 : vector<1xf32> to vector<1x1x1xf32>
    %reduce_sum3A_950 = vector.extract %reduce_sum3A_949[0, 0, 0] : f32 from vector<1x1x1xf32>
    %add3A_951 = arith.addf %add3A_832, %reduce_sum3A_950 : f32
    %reduce_sum3A_952 = vector.shape_cast %convert_element_type3A_927 : vector<512x1xf32> to vector<1x512x1xf32>
    %reduce_sum3A_953 = arith.constant dense<0.000000e+00> : vector<1xf32>
    %reduce_sum3A_954 = vector.multi_reduction <add>, %reduce_sum3A_952, %reduce_sum3A_953 [1, 2] : vector<1x512x1xf32> to vector<1xf32>
    %reduce_sum3A_955 = vector.shape_cast %reduce_sum3A_954 : vector<1xf32> to vector<1x1x1xf32>
    %reduce_sum3A_956 = vector.extract %reduce_sum3A_955[0, 0, 0] : f32 from vector<1x1x1xf32>
    %add3A_957 = arith.addf %add3A_838, %reduce_sum3A_956 : f32
    %mul3A_958 = arith.mulf %slice3A_940, %broadcast_in_dim3A_939 : vector<512x1xf32>
    %reduce_sum3A_959 = vector.shape_cast %mul3A_958 : vector<512x1xf32> to vector<1x512x1xf32>
    %reduce_sum3A_960 = arith.constant dense<0.000000e+00> : vector<1xf32>
    %reduce_sum3A_961 = vector.multi_reduction <add>, %reduce_sum3A_959, %reduce_sum3A_960 [1, 2] : vector<1x512x1xf32> to vector<1xf32>
    %reduce_sum3A_962 = vector.shape_cast %reduce_sum3A_961 : vector<1xf32> to vector<1x1x1xf32>
    %reduce_sum3A_963 = vector.extract %reduce_sum3A_962[0, 0, 0] : f32 from vector<1x1x1xf32>
    %add3A_964 = arith.addf %add3A_845, %reduce_sum3A_963 : f32
    %reduce_sum3A_965 = vector.shape_cast %slice3A_940 : vector<512x1xf32> to vector<1x512x1xf32>
    %reduce_sum3A_966 = arith.constant dense<0.000000e+00> : vector<1xf32>
    %reduce_sum3A_967 = vector.multi_reduction <add>, %reduce_sum3A_965, %reduce_sum3A_966 [1, 2] : vector<1x512x1xf32> to vector<1xf32>
    %reduce_sum3A_968 = vector.shape_cast %reduce_sum3A_967 : vector<1xf32> to vector<1x1x1xf32>
    %reduce_sum3A_969 = vector.extract %reduce_sum3A_968[0, 0, 0] : f32 from vector<1x1x1xf32>
    %add3A_970 = arith.addf %add3A_851, %reduce_sum3A_969 : f32
    %eq3A_971 = arith.cmpf oeq, %slice3A_941, %slice3A_941 : vector<512x1xf32>
    %jit3A_972 = arith.constant 0.000000e+00 : f32
    %broadcast_in_dim3A_973 = vector.broadcast %jit3A_972 : f32 to vector<512x1xf32>
    %select_n3A_974 = arith.select %eq3A_971, %slice3A_941, %broadcast_in_dim3A_973 : vector<512x1xi1>, vector<512x1xf32>
    %reduce_sum3A_975 = vector.shape_cast %select_n3A_974 : vector<512x1xf32> to vector<1x512x1xf32>
    %reduce_sum3A_976 = arith.constant dense<0.000000e+00> : vector<1xf32>
    %reduce_sum3A_977 = vector.multi_reduction <add>, %reduce_sum3A_975, %reduce_sum3A_976 [1, 2] : vector<1x512x1xf32> to vector<1xf32>
    %reduce_sum3A_978 = vector.shape_cast %reduce_sum3A_977 : vector<1xf32> to vector<1x1x1xf32>
    %reduce_sum3A_979 = vector.extract %reduce_sum3A_978[0, 0, 0] : f32 from vector<1x1x1xf32>
    %add3A_980 = arith.addf %add3A_861, %reduce_sum3A_979 : f32
    %reduce_sum3A_981 = vector.shape_cast %convert_element_type3A_944 : vector<512x1xf32> to vector<1x512x1xf32>
    %reduce_sum3A_982 = arith.constant dense<0.000000e+00> : vector<1xf32>
    %reduce_sum3A_983 = vector.multi_reduction <add>, %reduce_sum3A_981, %reduce_sum3A_982 [1, 2] : vector<1x512x1xf32> to vector<1xf32>
    %reduce_sum3A_984 = vector.shape_cast %reduce_sum3A_983 : vector<1xf32> to vector<1x1x1xf32>
    %reduce_sum3A_985 = vector.extract %reduce_sum3A_984[0, 0, 0] : f32 from vector<1x1x1xf32>
    %add3A_986 = arith.addf %add3A_867, %reduce_sum3A_985 : f32
    %iota3A_987 = tpu.iota {dimensions = array<i32: 0>} : vector<4x4xi32>
    %iota3A_988 = tpu.iota {dimensions = array<i32: 1>} : vector<4x4xi32>
    %add3A_989 = arith.constant 0 : i32
    %add3A_990 = vector.broadcast %add3A_989 : i32 to vector<4x4xi32>
    %add3A_991 = arith.addi %iota3A_987, %add3A_990 : vector<4x4xi32>
    %eq3A_992 = arith.cmpi eq, %add3A_991, %iota3A_988 : vector<4x4xi32>
    %convert_element_type3A_993 = arith.extui %eq3A_992 : vector<4x4xi1> to vector<4x4xi32>
    %convert_element_type3A_994 = arith.sitofp %convert_element_type3A_993 : vector<4x4xi32> to vector<4x4xf32>
    %get3A_995 = arith.constant 0 : index
    %get3A_996 = arith.constant 0 : index
    %get3A_997 = arith.constant 0 : index
    %get3A_998 = vector.load %arg7[%get3A_995, %get3A_996, %get3A_997] : memref<2x4x4xf32, #tpu.memory_space<vmem>>, vector<1x4x4xf32>
    %get3A_999 = vector.shape_cast %get3A_998 : vector<1x4x4xf32> to vector<4x4xf32>
    %get3A_1000 = arith.constant 0 : index
    %get3A_1001 = arith.constant 0 : index
    %get3A_1002 = arith.constant 0 : index
    %get3A_1003 = vector.load %arg8[%get3A_1000, %get3A_1001, %get3A_1002] : memref<2x4x4xf32, #tpu.memory_space<vmem>>, vector<1x4x4xf32>
    %get3A_1004 = vector.shape_cast %get3A_1003 : vector<1x4x4xf32> to vector<4x4xf32>
    %dot_general3A_1005 = arith.constant dense<0.000000e+00> : vector<4x4xf32>
    %dot_general3A_1006 = tpu.matmul %get3A_999, %get3A_1004, %dot_general3A_1005 {dimension_numbers = #tpu.dot_dimension_numbers<[1], [0], [0], [1], [0, 0, 1, 1], [], []>, transpose_lhs_hint = false} : vector<4x4xf32>, vector<4x4xf32>, vector<4x4xf32> -> vector<4x4xf32>
    %sub3A_1007 = arith.subf %dot_general3A_1006, %convert_element_type3A_994 : vector<4x4xf32>
    %mul3A_1008 = arith.mulf %sub3A_1007, %sub3A_1007 : vector<4x4xf32>
    %reduce_sum3A_1009 = vector.shape_cast %mul3A_1008 : vector<4x4xf32> to vector<1x4x4xf32>
    %reduce_sum3A_1010 = arith.constant dense<0.000000e+00> : vector<1xf32>
    %reduce_sum3A_1011 = vector.multi_reduction <add>, %reduce_sum3A_1009, %reduce_sum3A_1010 [1, 2] : vector<1x4x4xf32> to vector<1xf32>
    %reduce_sum3A_1012 = vector.shape_cast %reduce_sum3A_1011 : vector<1xf32> to vector<1x1x1xf32>
    %reduce_sum3A_1013 = vector.extract %reduce_sum3A_1012[0, 0, 0] : f32 from vector<1x1x1xf32>
    %add3A_1014 = arith.constant 0.000000e+00 : f32
    %add3A_1015 = arith.addf %add3A_1014, %reduce_sum3A_1013 : f32
    %get3A_1016 = arith.constant 1 : index
    %get3A_1017 = arith.constant 0 : index
    %get3A_1018 = arith.constant 0 : index
    %get3A_1019 = vector.load %arg7[%get3A_1016, %get3A_1017, %get3A_1018] : memref<2x4x4xf32, #tpu.memory_space<vmem>>, vector<1x4x4xf32>
    %get3A_1020 = vector.shape_cast %get3A_1019 : vector<1x4x4xf32> to vector<4x4xf32>
    %get3A_1021 = arith.constant 1 : index
    %get3A_1022 = arith.constant 0 : index
    %get3A_1023 = arith.constant 0 : index
    %get3A_1024 = vector.load %arg8[%get3A_1021, %get3A_1022, %get3A_1023] : memref<2x4x4xf32, #tpu.memory_space<vmem>>, vector<1x4x4xf32>
    %get3A_1025 = vector.shape_cast %get3A_1024 : vector<1x4x4xf32> to vector<4x4xf32>
    %dot_general3A_1026 = arith.constant dense<0.000000e+00> : vector<4x4xf32>
    %dot_general3A_1027 = tpu.matmul %get3A_1020, %get3A_1025, %dot_general3A_1026 {dimension_numbers = #tpu.dot_dimension_numbers<[1], [0], [0], [1], [0, 0, 1, 1], [], []>, transpose_lhs_hint = false} : vector<4x4xf32>, vector<4x4xf32>, vector<4x4xf32> -> vector<4x4xf32>
    %sub3A_1028 = arith.subf %dot_general3A_1027, %convert_element_type3A_994 : vector<4x4xf32>
    %mul3A_1029 = arith.mulf %sub3A_1028, %sub3A_1028 : vector<4x4xf32>
    %reduce_sum3A_1030 = vector.shape_cast %mul3A_1029 : vector<4x4xf32> to vector<1x4x4xf32>
    %reduce_sum3A_1031 = arith.constant dense<0.000000e+00> : vector<1xf32>
    %reduce_sum3A_1032 = vector.multi_reduction <add>, %reduce_sum3A_1030, %reduce_sum3A_1031 [1, 2] : vector<1x4x4xf32> to vector<1xf32>
    %reduce_sum3A_1033 = vector.shape_cast %reduce_sum3A_1032 : vector<1xf32> to vector<1x1x1xf32>
    %reduce_sum3A_1034 = vector.extract %reduce_sum3A_1033[0, 0, 0] : f32 from vector<1x1x1xf32>
    %add3A_1035 = arith.addf %add3A_1015, %reduce_sum3A_1034 : f32
    %eq3A_1036 = arith.constant 0 : i32
    %eq3A_1037 = arith.cmpi eq, %arg0, %eq3A_1036 : i32
    %convert_element_type3A_1038 = arith.extui %eq3A_1037 : i1 to i32
    %convert_element_type3A_1039 = arith.sitofp %convert_element_type3A_1038 : i32 to f32
    %mul3A_1040 = arith.mulf %add3A_1035, %convert_element_type3A_1039 : f32
    %iota3A_1041 = tpu.iota {dimensions = array<i32: 2>} : vector<1x1x8xi32>
    %broadcast_in_dim3A_1042 = arith.constant 0.000000e+00 : f32
    %broadcast_in_dim3A_1043 = vector.broadcast %broadcast_in_dim3A_1042 : f32 to vector<1x1x8xf32>
    %eq3A_1044 = arith.constant 0 : i32
    %eq3A_1045 = vector.broadcast %eq3A_1044 : i32 to vector<1x1x8xi32>
    %eq3A_1046 = arith.cmpi eq, %iota3A_1041, %eq3A_1045 : vector<1x1x8xi32>
    %jit3A_1047 = arith.constant 0.000000e+00 : f32
    %broadcast_in_dim3A_1048 = vector.broadcast %add3A_951 : f32 to vector<1x1x8xf32>
    %broadcast_in_dim3A_1049 = vector.broadcast %jit3A_1047 : f32 to vector<1x1x8xf32>
    %select_n3A_1050 = arith.select %eq3A_1046, %broadcast_in_dim3A_1048, %broadcast_in_dim3A_1049 : vector<1x1x8xi1>, vector<1x1x8xf32>
    %add3A_1051 = arith.addf %broadcast_in_dim3A_1043, %select_n3A_1050 : vector<1x1x8xf32>
    %eq3A_1052 = arith.constant 1 : i32
    %eq3A_1053 = vector.broadcast %eq3A_1052 : i32 to vector<1x1x8xi32>
    %eq3A_1054 = arith.cmpi eq, %iota3A_1041, %eq3A_1053 : vector<1x1x8xi32>
    %jit3A_1055 = arith.constant 0.000000e+00 : f32
    %broadcast_in_dim3A_1056 = vector.broadcast %add3A_957 : f32 to vector<1x1x8xf32>
    %broadcast_in_dim3A_1057 = vector.broadcast %jit3A_1055 : f32 to vector<1x1x8xf32>
    %select_n3A_1058 = arith.select %eq3A_1054, %broadcast_in_dim3A_1056, %broadcast_in_dim3A_1057 : vector<1x1x8xi1>, vector<1x1x8xf32>
    %add3A_1059 = arith.addf %add3A_1051, %select_n3A_1058 : vector<1x1x8xf32>
    %eq3A_1060 = arith.constant 2 : i32
    %eq3A_1061 = vector.broadcast %eq3A_1060 : i32 to vector<1x1x8xi32>
    %eq3A_1062 = arith.cmpi eq, %iota3A_1041, %eq3A_1061 : vector<1x1x8xi32>
    %jit3A_1063 = arith.constant 0.000000e+00 : f32
    %jit3A_1064 = arith.constant 0.000000e+00 : f32
    %broadcast_in_dim3A_1065 = vector.broadcast %jit3A_1063 : f32 to vector<1x1x8xf32>
    %broadcast_in_dim3A_1066 = vector.broadcast %jit3A_1064 : f32 to vector<1x1x8xf32>
    %select_n3A_1067 = arith.select %eq3A_1062, %broadcast_in_dim3A_1065, %broadcast_in_dim3A_1066 : vector<1x1x8xi1>, vector<1x1x8xf32>
    %add3A_1068 = arith.addf %add3A_1059, %select_n3A_1067 : vector<1x1x8xf32>
    %eq3A_1069 = arith.constant 3 : i32
    %eq3A_1070 = vector.broadcast %eq3A_1069 : i32 to vector<1x1x8xi32>
    %eq3A_1071 = arith.cmpi eq, %iota3A_1041, %eq3A_1070 : vector<1x1x8xi32>
    %jit3A_1072 = arith.constant 0.000000e+00 : f32
    %broadcast_in_dim3A_1073 = vector.broadcast %add3A_964 : f32 to vector<1x1x8xf32>
    %broadcast_in_dim3A_1074 = vector.broadcast %jit3A_1072 : f32 to vector<1x1x8xf32>
    %select_n3A_1075 = arith.select %eq3A_1071, %broadcast_in_dim3A_1073, %broadcast_in_dim3A_1074 : vector<1x1x8xi1>, vector<1x1x8xf32>
    %add3A_1076 = arith.addf %add3A_1068, %select_n3A_1075 : vector<1x1x8xf32>
    %eq3A_1077 = arith.constant 4 : i32
    %eq3A_1078 = vector.broadcast %eq3A_1077 : i32 to vector<1x1x8xi32>
    %eq3A_1079 = arith.cmpi eq, %iota3A_1041, %eq3A_1078 : vector<1x1x8xi32>
    %jit3A_1080 = arith.constant 0.000000e+00 : f32
    %broadcast_in_dim3A_1081 = vector.broadcast %add3A_970 : f32 to vector<1x1x8xf32>
    %broadcast_in_dim3A_1082 = vector.broadcast %jit3A_1080 : f32 to vector<1x1x8xf32>
    %select_n3A_1083 = arith.select %eq3A_1079, %broadcast_in_dim3A_1081, %broadcast_in_dim3A_1082 : vector<1x1x8xi1>, vector<1x1x8xf32>
    %add3A_1084 = arith.addf %add3A_1076, %select_n3A_1083 : vector<1x1x8xf32>
    %eq3A_1085 = arith.constant 5 : i32
    %eq3A_1086 = vector.broadcast %eq3A_1085 : i32 to vector<1x1x8xi32>
    %eq3A_1087 = arith.cmpi eq, %iota3A_1041, %eq3A_1086 : vector<1x1x8xi32>
    %jit3A_1088 = arith.constant 0.000000e+00 : f32
    %broadcast_in_dim3A_1089 = vector.broadcast %add3A_980 : f32 to vector<1x1x8xf32>
    %broadcast_in_dim3A_1090 = vector.broadcast %jit3A_1088 : f32 to vector<1x1x8xf32>
    %select_n3A_1091 = arith.select %eq3A_1087, %broadcast_in_dim3A_1089, %broadcast_in_dim3A_1090 : vector<1x1x8xi1>, vector<1x1x8xf32>
    %add3A_1092 = arith.addf %add3A_1084, %select_n3A_1091 : vector<1x1x8xf32>
    %eq3A_1093 = arith.constant 6 : i32
    %eq3A_1094 = vector.broadcast %eq3A_1093 : i32 to vector<1x1x8xi32>
    %eq3A_1095 = arith.cmpi eq, %iota3A_1041, %eq3A_1094 : vector<1x1x8xi32>
    %jit3A_1096 = arith.constant 0.000000e+00 : f32
    %broadcast_in_dim3A_1097 = vector.broadcast %add3A_986 : f32 to vector<1x1x8xf32>
    %broadcast_in_dim3A_1098 = vector.broadcast %jit3A_1096 : f32 to vector<1x1x8xf32>
    %select_n3A_1099 = arith.select %eq3A_1095, %broadcast_in_dim3A_1097, %broadcast_in_dim3A_1098 : vector<1x1x8xi1>, vector<1x1x8xf32>
    %add3A_1100 = arith.addf %add3A_1092, %select_n3A_1099 : vector<1x1x8xf32>
    %eq3A_1101 = arith.constant 7 : i32
    %eq3A_1102 = vector.broadcast %eq3A_1101 : i32 to vector<1x1x8xi32>
    %eq3A_1103 = arith.cmpi eq, %iota3A_1041, %eq3A_1102 : vector<1x1x8xi32>
    %jit3A_1104 = arith.constant 0.000000e+00 : f32
    %broadcast_in_dim3A_1105 = vector.broadcast %mul3A_1040 : f32 to vector<1x1x8xf32>
    %broadcast_in_dim3A_1106 = vector.broadcast %jit3A_1104 : f32 to vector<1x1x8xf32>
    %select_n3A_1107 = arith.select %eq3A_1103, %broadcast_in_dim3A_1105, %broadcast_in_dim3A_1106 : vector<1x1x8xi1>, vector<1x1x8xf32>
    %add3A_1108 = arith.addf %add3A_1100, %select_n3A_1107 : vector<1x1x8xf32>
    %swap3A_1109 = arith.constant 0 : index
    %swap3A_1110 = arith.constant 0 : index
    %swap3A_1111 = arith.constant 0 : index
    %swap3A_1112 = vector.load %arg9[%swap3A_1109, %swap3A_1110, %swap3A_1111] : memref<1x1x8xf32, #tpu.memory_space<vmem>>, vector<1x1x8xf32>
    tpu.vector_store %arg9[%swap3A_1109, %swap3A_1110, %swap3A_1111], %add3A_1108 {strides = array<i32>} : memref<1x1x8xf32, #tpu.memory_space<vmem>>, vector<1x1x8xf32>,
    return
  }
  func.func @transform_0(%arg0: i32) -> (i32, i32, i32) {
    %rem3A = arith.constant 2 : i32
    %rem3A_0 = arith.remsi %arg0, %rem3A : i32
    %c0_i32 = arith.constant 0 : i32
    %c0_i32_1 = arith.constant 0 : i32
    %c0_i32_2 = arith.constant 0 : i32
    return %rem3A_0, %c0_i32, %c0_i32_1 : i32, i32, i32
  }
  func.func @transform_1(%arg0: i32) -> (i32, i32, i32) {
    %rem3A = arith.constant 2 : i32
    %rem3A_0 = arith.remsi %arg0, %rem3A : i32
    %c0_i32 = arith.constant 0 : i32
    %c0_i32_1 = arith.constant 0 : i32
    %c0_i32_2 = arith.constant 0 : i32
    return %rem3A_0, %c0_i32, %c0_i32_1 : i32, i32, i32
  }
  func.func @transform_2(%arg0: i32) -> (i32, i32, i32) {
    %rem3A = arith.constant 2 : i32
    %rem3A_0 = arith.remsi %arg0, %rem3A : i32
    %c0_i32 = arith.constant 0 : i32
    %c0_i32_1 = arith.constant 0 : i32
    %c0_i32_2 = arith.constant 0 : i32
    return %rem3A_0, %c0_i32, %c0_i32_1 : i32, i32, i32
  }
  func.func @transform_3(%arg0: i32) -> (i32, i32, i32) {
    %rem3A = arith.constant 2 : i32
    %rem3A_0 = arith.remsi %arg0, %rem3A : i32
    %c0_i32 = arith.constant 0 : i32
    %c0_i32_1 = arith.constant 0 : i32
    %c0_i32_2 = arith.constant 0 : i32
    return %rem3A_0, %c0_i32, %c0_i32_1 : i32, i32, i32
  }
  func.func @transform_4(%arg0: i32) -> (i32, i32, i32) {
    %rem3A = arith.constant 2 : i32
    %rem3A_0 = arith.remsi %arg0, %rem3A : i32
    %c0_i32 = arith.constant 0 : i32
    %c0_i32_1 = arith.constant 0 : i32
    %c0_i32_2 = arith.constant 0 : i32
    return %rem3A_0, %c0_i32, %c0_i32_1 : i32, i32, i32
  }
  func.func @transform_5(%arg0: i32) -> (i32, i32, i32) {
    %rem3A = arith.constant 2 : i32
    %rem3A_0 = arith.remsi %arg0, %rem3A : i32
    %c0_i32 = arith.constant 0 : i32
    %c0_i32_1 = arith.constant 0 : i32
    %c0_i32_2 = arith.constant 0 : i32
    return %rem3A_0, %c0_i32, %c0_i32_1 : i32, i32, i32
  }
  func.func @transform_6(%arg0: i32) -> (i32, i32, i32) {
    %c0_i32 = arith.constant 0 : i32
    %c0_i32_0 = arith.constant 0 : i32
    %c0_i32_1 = arith.constant 0 : i32
    %c0_i32_2 = arith.constant 0 : i32
    return %c0_i32, %c0_i32_0, %c0_i32_1 : i32, i32, i32
  }
  func.func @transform_7(%arg0: i32) -> (i32, i32, i32) {
    %c0_i32 = arith.constant 0 : i32
    %c0_i32_0 = arith.constant 0 : i32
    %c0_i32_1 = arith.constant 0 : i32
    %c0_i32_2 = arith.constant 0 : i32
    return %c0_i32, %c0_i32_0, %c0_i32_1 : i32, i32, i32
  }
  func.func @transform_8(%arg0: i32) -> (i32, i32, i32) {
    %c0_i32 = arith.constant 0 : i32
    %c0_i32_0 = arith.constant 0 : i32
    %c0_i32_1 = arith.constant 0 : i32
    return %arg0, %c0_i32, %c0_i32_0 : i32, i32, i32
  }
  func.func @transform_9(%arg0: i32) -> (i32, i32, i32) {
    %c0_i32 = arith.constant 0 : i32
    %c0_i32_0 = arith.constant 0 : i32
    %c0_i32_1 = arith.constant 0 : i32
    return %arg0, %c0_i32, %c0_i32_0 : i32, i32, i32
  }
}

module attributes {stable_mosaic.version = 14 : i64} {
  func.func @_opp_body(%arg0: i32, %arg1: memref<1x4096x11xf32, #tpu.memory_space<vmem>>, %arg2: memref<1x4096x11xf32, #tpu.memory_space<vmem>>, %arg3: memref<1x4096x128xf32, #tpu.memory_space<vmem>>, %arg4: memref<1x1x8xf32, #tpu.memory_space<vmem>>) attributes {dimension_semantics = [#tpu.dimension_semantics<arbitrary>], iteration_bounds = array<i64: 4>, scalar_prefetch = 0 : i64, scratch_operands = 0 : i64, tpu.core_type = #tpu.core_type<tc>, window_params = [{transform_indices = @transform_0, window_bounds = array<i64: 1, 4096, 11>}, {transform_indices = @transform_1, window_bounds = array<i64: 1, 4096, 11>}, {transform_indices = @transform_2, window_bounds = array<i64: 1, 4096, 128>}, {transform_indices = @transform_3, window_bounds = array<i64: 1, 1, 8>}]} {
    %lt3A = arith.constant 2 : i32
    %lt3A_0 = arith.cmpi slt, %arg0, %lt3A : i32
    %get3A = arith.constant 0 : index
    %get3A_1 = arith.constant 0 : index
    %get3A_2 = arith.constant 0 : index
    %get3A_3 = vector.load %arg1[%get3A, %get3A_1, %get3A_2] : memref<1x4096x11xf32, #tpu.memory_space<vmem>>, vector<1x4096x11xf32>
    %get3A_4 = vector.shape_cast %get3A_3 : vector<1x4096x11xf32> to vector<4096x11xf32>
    %get3A_5 = arith.constant 0 : index
    %get3A_6 = arith.constant 0 : index
    %get3A_7 = arith.constant 0 : index
    %get3A_8 = vector.load %arg2[%get3A_5, %get3A_6, %get3A_7] : memref<1x4096x11xf32, #tpu.memory_space<vmem>>, vector<1x4096x11xf32>
    %get3A_9 = vector.shape_cast %get3A_8 : vector<1x4096x11xf32> to vector<4096x11xf32>
    %select_n3A = arith.select %lt3A_0, %get3A_4, %get3A_9 : vector<4096x11xf32>
    %slice3A = vector.extract_strided_slice %select_n3A {offsets = [0, 0], sizes = [4096, 3], strides = [1, 1]} : vector<4096x11xf32> to vector<4096x3xf32>
    %slice3A_10 = vector.extract_strided_slice %select_n3A {offsets = [0, 3], sizes = [4096, 3], strides = [1, 1]} : vector<4096x11xf32> to vector<4096x3xf32>
    %add3A = arith.addf %slice3A, %slice3A_10 : vector<4096x3xf32>
    %slice3A_11 = vector.extract_strided_slice %add3A {offsets = [0, 0], sizes = [4096, 1], strides = [1, 1]} : vector<4096x3xf32> to vector<4096x1xf32>
    %slice3A_12 = vector.extract_strided_slice %add3A {offsets = [0, 1], sizes = [4096, 1], strides = [1, 1]} : vector<4096x3xf32> to vector<4096x1xf32>
    %ge3A = arith.constant -3.200000e+01 : f32
    %ge3A_13 = vector.broadcast %ge3A : f32 to vector<4096x1xf32>
    %ge3A_14 = arith.cmpf oge, %slice3A_11, %ge3A_13 : vector<4096x1xf32>
    %le3A = arith.constant 3.200000e+01 : f32
    %le3A_15 = vector.broadcast %le3A : f32 to vector<4096x1xf32>
    %le3A_16 = arith.cmpf ole, %slice3A_11, %le3A_15 : vector<4096x1xf32>
    %and3A = arith.andi %ge3A_14, %le3A_16 : vector<4096x1xi1>
    %ge3A_17 = arith.constant -3.200000e+01 : f32
    %ge3A_18 = vector.broadcast %ge3A_17 : f32 to vector<4096x1xf32>
    %ge3A_19 = arith.cmpf oge, %slice3A_12, %ge3A_18 : vector<4096x1xf32>
    %and3A_20 = arith.andi %and3A, %ge3A_19 : vector<4096x1xi1>
    %le3A_21 = arith.constant 3.200000e+01 : f32
    %le3A_22 = vector.broadcast %le3A_21 : f32 to vector<4096x1xf32>
    %le3A_23 = arith.cmpf ole, %slice3A_12, %le3A_22 : vector<4096x1xf32>
    %and3A_24 = arith.andi %and3A_20, %le3A_23 : vector<4096x1xi1>
    %convert_element_type3A = arith.extui %and3A_24 : vector<4096x1xi1> to vector<4096x1xi32>
    %convert_element_type3A_25 = arith.sitofp %convert_element_type3A : vector<4096x1xi32> to vector<4096x1xf32>
    %get3A_26 = arith.constant 0 : index
    %get3A_27 = arith.constant 0 : index
    %get3A_28 = arith.constant 0 : index
    %get3A_29 = vector.load %arg3[%get3A_26, %get3A_27, %get3A_28] : memref<1x4096x128xf32, #tpu.memory_space<vmem>>, vector<1x4096x128xf32>
    %get3A_30 = vector.shape_cast %get3A_29 : vector<1x4096x128xf32> to vector<4096x128xf32>
    %slice3A_31 = vector.extract_strided_slice %get3A_30 {offsets = [0, 0], sizes = [4096, 3], strides = [1, 1]} : vector<4096x128xf32> to vector<4096x3xf32>
    %add3A_32 = arith.addf %slice3A_10, %slice3A_31 : vector<4096x3xf32>
    %mul3A = arith.mulf %add3A_32, %add3A_32 : vector<4096x3xf32>
    %reduce_sum3A = arith.constant dense<0.000000e+00> : vector<4096xf32>
    %reduce_sum3A_33 = vector.multi_reduction <add>, %mul3A, %reduce_sum3A [1] : vector<4096x3xf32> to vector<4096xf32>
    %broadcast_in_dim3A = vector.shape_cast %reduce_sum3A_33 : vector<4096xf32> to vector<4096x1xf32>
    %mul3A_34 = arith.mulf %convert_element_type3A_25, %broadcast_in_dim3A : vector<4096x1xf32>
    %reduce_sum3A_35 = vector.shape_cast %mul3A_34 : vector<4096x1xf32> to vector<1x4096x1xf32>
    %reduce_sum3A_36 = arith.constant dense<0.000000e+00> : vector<1xf32>
    %reduce_sum3A_37 = vector.multi_reduction <add>, %reduce_sum3A_35, %reduce_sum3A_36 [1, 2] : vector<1x4096x1xf32> to vector<1xf32>
    %reduce_sum3A_38 = vector.shape_cast %reduce_sum3A_37 : vector<1xf32> to vector<1x1x1xf32>
    %reduce_sum3A_39 = vector.extract %reduce_sum3A_38[0, 0, 0] : f32 from vector<1x1x1xf32>
    %iota3A = tpu.iota {dimensions = array<i32: 2>} : vector<1x1x8xi32>
    %eq3A = arith.constant 0 : i32
    %eq3A_40 = vector.broadcast %eq3A : i32 to vector<1x1x8xi32>
    %eq3A_41 = arith.cmpi eq, %iota3A, %eq3A_40 : vector<1x1x8xi32>
    %jit3A = arith.constant 0.000000e+00 : f32
    %broadcast_in_dim3A_42 = vector.broadcast %reduce_sum3A_39 : f32 to vector<1x1x8xf32>
    %broadcast_in_dim3A_43 = vector.broadcast %jit3A : f32 to vector<1x1x8xf32>
    %select_n3A_44 = arith.select %eq3A_41, %broadcast_in_dim3A_42, %broadcast_in_dim3A_43 : vector<1x1x8xi1>, vector<1x1x8xf32>
    %swap3A = arith.constant 0 : index
    %swap3A_45 = arith.constant 0 : index
    %swap3A_46 = arith.constant 0 : index
    %swap3A_47 = vector.load %arg4[%swap3A, %swap3A_45, %swap3A_46] : memref<1x1x8xf32, #tpu.memory_space<vmem>>, vector<1x1x8xf32>
    tpu.vector_store %arg4[%swap3A, %swap3A_45, %swap3A_46], %select_n3A_44 {strides = array<i32>} : memref<1x1x8xf32, #tpu.memory_space<vmem>>, vector<1x1x8xf32>,
    return
  }
  func.func @transform_0(%arg0: i32) -> (i32, i32, i32) {
    %rem3A = arith.constant 2 : i32
    %rem3A_0 = arith.remsi %arg0, %rem3A : i32
    %c0_i32 = arith.constant 0 : i32
    %c0_i32_1 = arith.constant 0 : i32
    %c0_i32_2 = arith.constant 0 : i32
    return %rem3A_0, %c0_i32, %c0_i32_1 : i32, i32, i32
  }
  func.func @transform_1(%arg0: i32) -> (i32, i32, i32) {
    %rem3A = arith.constant 2 : i32
    %rem3A_0 = arith.remsi %arg0, %rem3A : i32
    %c0_i32 = arith.constant 0 : i32
    %c0_i32_1 = arith.constant 0 : i32
    %c0_i32_2 = arith.constant 0 : i32
    return %rem3A_0, %c0_i32, %c0_i32_1 : i32, i32, i32
  }
  func.func @transform_2(%arg0: i32) -> (i32, i32, i32) {
    %c0_i32 = arith.constant 0 : i32
    %c0_i32_0 = arith.constant 0 : i32
    %c0_i32_1 = arith.constant 0 : i32
    return %arg0, %c0_i32, %c0_i32_0 : i32, i32, i32
  }
  func.func @transform_3(%arg0: i32) -> (i32, i32, i32) {
    %c0_i32 = arith.constant 0 : i32
    %c0_i32_0 = arith.constant 0 : i32
    %c0_i32_1 = arith.constant 0 : i32
    return %arg0, %c0_i32, %c0_i32_0 : i32, i32, i32
  }
}

</mosaic_0001>

<sc_bundles>
// kernel: kernel.5.cloned.1.call-start
scs
__scs_entry_jumppad:
0x0: {  	(pc) =	sbr.rel $0x88, $3  }
0x1: {  	(tag) =	ssettag $0x0;
	lr =	simm.s32 $0x1  }
0x2: {  	[smem:$0x3F95] =	sst lr;
	_ =	strace $0xD0000000  }
0x3: {  	_ = 	snop  }
0x4: {  	_ = 	snop  }
0x5: {  	_ = 	snop  }
0x6: {  	_ = 	snop  }
0x7: {  	_ = 	snop  }
__scs_overlays_trampoline_lowered:
0x8: {  	[smem:$0x3FA4] =	sst s0  }
0x9: {  	[smem:$0x3FA5] =	sst s1  }
0xa: {  	[smem:$0x3FA6] =	sst s2  }
0xb: {  	[smem:$0x3FA7] =	sst s3  }
0xc: {  	[smem:$0x3FA8] =	sst s4  }
0xd: {  	[smem:$0x3FA9] =	sst s5  }
0xe: {  	[smem:$0x3FAA] =	sst s6  }
0xf: {  	[smem:$0x3FAB] =	sst s7  }
0x10: {  	[smem:$0x3FAC] =	sst s8  }
0x11: {  	[smem:$0x3FAD] =	sst s9;
	s0 =	simm.s32 @!p0 $0x0  }
0x12: {  	s1 =	sld [smem:$0x3F93];
	s0 =	simm.s32 @p0 $0x1  }
0x13: {  	[smem:$0x3FAE] =	sst s0;
	s0 =	simm.s32 @!p1 $0x0  }
0x14: {  	s2 =	sld [smem:$0x3F92];
	s0 =	simm.s32 @p1 $0x1  }
0x15: {  	[smem:$0x3FAF] =	sst s0;
	s0 =	simm.s32 @!p2 $0x0  }
0x16: {  	s3 =	sld [smem:$0x3FDB];
	s0 =	simm.s32 @p2 $0x1  }
0x17: {  	s4 =	simm.s32 $0x1BF5;
	[smem:$0x3FB1] =	sst s0  }
0x18: {  	s0 =	sld [smem:$0x3F94];
	_ =	swait.ge [sflag:s4], $0x0  }
0x19: {  	s7 =	sld [smem:$0x3F95]  }
0x1a: {  	s8 =	sadd.s32 $0xFFFFE003, lr  }
0x1b: {  	s9 =	sadd.s32 $0xFFFFFEF7, lr;
	s5 =	simm.s32 $0xFFFFFFFF;
	p2 =	slt.u32 s8, $0xFFFFF086  }
0x1c: {  	p1 =	slt.u32 s9, $0xF7A;
	s5 =	simm.s32 @!p2 $0x0  }
0x1d: {  	s5 =	simm.s32 @p1 $0x1;
	p0 =	seq.s32 s7, s2  }
0x1e: {  	s7 =	smul.u32 @!p0 $0xF7A, s2;
	p2 =	seq.s32 @!p0 s5, $0x0  }
0x1f: {  	s9 =	smul.u32 $0xF7A, s1;
	s8 =	simm.s32 @!p0 $0x1BF5;
	p2 =	por !p2, p0  }
0x20: {  	[sflag:s8] =	ssyncset.s32 @!p0 $0xFFFFF086;
	s6 =	sadd.s32 @!p0 s3, s7;
	s7 =	simm.s32 @!p0 $0x108  }
0x21: {  	s3 =	sadd.s32 s3, s9;
	s6 =	sadd.s32 @!p0 $0x88, s6;
	s7 =	simm.s32 @p2 $0x1082  }
0x22: {  	[simem:s7], [sflag:s8] =	dma.local @!p0 [hbm:s6], $0xF7A  }
0x23: {  	s9 =	sor.u32 $0xD0000000, s2;
	s6 =	simm.s32 $0x108;
	_ =	swait.ge @!p0 [sflag:s8], $0x0  }
0x24: {  	s3 =	sadd.s32 $0x88, s3;
	s6 =	simm.s32 @!p1 $0x1082;
	[sflag:s4] =	ssyncset.s32 $0xFFFFF086  }
0x25: {  	[simem:s6], [sflag:s4] =	dma.local [hbm:s3], $0xF7A  }
0x26: {  	[smem:$0x3F95] =	sst s1;
	(tag) =	ssettag s2;
	_ =	strace s9  }
0x27: {  	s1 =	sld [smem:$0x3FA5]  }
0x28: {  	s2 =	sld [smem:$0x3FA6]  }
0x29: {  	s4 =	sld [smem:$0x3FA8]  }
0x2a: {  	p0 =	seq.s32 s5, $0x0;
	s5 =	sld [smem:$0x3FA9]  }
0x2b: {  	s6 =	sld [smem:$0x3FAA]  }
0x2c: {  	s7 =	sld [smem:$0x3FAB]  }
0x2d: {  	s3 =	simm.s32 $0x108;
	s8 =	sld [smem:$0x3FAC]  }
0x2e: {  	s3 =	simm.s32 @!p0 $0x1082;
	s9 =	sld [smem:$0x3FAD]  }
0x2f: {  	lr =	sadd.s32 s0, s3;
	s0 =	sld [smem:$0x3FA4]  }
0x30: {  	s3 =	sld [smem:$0x3FA7]  }
0x31: {  	[smem:$0x3FB0] =	sst s10  }
0x32: {  	s10 =	sld [smem:$0x3FAE];
	_ =	sdelay $0x3  }
0x33: {  	p0 =	seq.s32 s10, $0x1;
	s10 =	sld [smem:$0x3FB0];
	_ =	sdelay $0x3  }
0x34: {  	[smem:$0x3FB0] =	sst s10  }
0x35: {  	s10 =	sld [smem:$0x3FAF];
	_ =	sdelay $0x3  }
0x36: {  	p1 =	seq.s32 s10, $0x1;
	s10 =	sld [smem:$0x3FB0];
	_ =	sdelay $0x3  }
0x37: {  	[smem:$0x3FB0] =	sst s10  }
0x38: {  	s10 =	sld [smem:$0x3FB1]  }
0x39: {  	_ = 	snop;
	(pc) =	sbr.ind lr, $3  }
0x3a: {  	_ = 	snop  }
0x3b: {  	_ = 	snop  }
0x3c: {  	p2 =	seq.s32 s10, $0x1;
	s10 =	sld [smem:$0x3FB0]  }
0x3d: {  	_ =	shalt  }
0x3e: {  	_ =	shalt  }
0x3f: {  	_ =	shalt  }
0x40: {  	_ =	shalt  }
0x41: {  	_ =	shalt  }
0x42: {  	_ =	shalt  }
0x43: {  	_ =	shalt  }
0x44: {  	_ =	shalt  }
0x45: {  	_ =	shalt  }
0x46: {  	_ =	shalt  }
0x47: {  	_ =	shalt  }
0x48: {  	_ =	shalt  }
0x49: {  	_ =	shalt  }
0x4a: {  	_ =	shalt  }
0x4b: {  	_ =	shalt  }
0x4c: {  	_ =	shalt  }
0x4d: {  	_ =	shalt  }
0x4e: {  	_ =	shalt  }
0x4f: {  	_ =	shalt  }
0x50: {  	_ =	shalt  }
0x51: {  	_ =	shalt  }
0x52: {  	_ =	shalt  }
0x53: {  	_ =	shalt  }
0x54: {  	_ =	shalt  }
0x55: {  	_ =	shalt  }
0x56: {  	_ =	shalt  }
0x57: {  	_ =	shalt  }
0x58: {  	_ =	shalt  }
0x59: {  	_ =	shalt  }
0x5a: {  	_ =	shalt  }
0x5b: {  	_ =	shalt  }
0x5c: {  	_ =	shalt  }
0x5d: {  	_ =	shalt  }
0x5e: {  	_ =	shalt  }
0x5f: {  	_ =	shalt  }
0x60: {  	_ =	shalt  }
0x61: {  	_ =	shalt  }
0x62: {  	_ =	shalt  }
0x63: {  	_ =	shalt  }
0x64: {  	_ =	shalt  }
0x65: {  	_ =	shalt  }
0x66: {  	_ =	shalt  }
0x67: {  	_ =	shalt  }
0x68: {  	_ =	shalt  }
0x69: {  	_ =	shalt  }
0x6a: {  	_ =	shalt  }
0x6b: {  	_ =	shalt  }
0x6c: {  	_ =	shalt  }
0x6d: {  	_ =	shalt  }
0x6e: {  	_ =	shalt  }
0x6f: {  	_ =	shalt  }
0x70: {  	_ =	shalt  }
0x71: {  	_ =	shalt  }
0x72: {  	_ =	shalt  }
0x73: {  	_ =	shalt  }
0x74: {  	_ =	shalt  }
0x75: {  	_ =	shalt  }
0x76: {  	_ =	shalt  }
0x77: {  	_ =	shalt  }
0x78: {  	_ =	shalt  }
0x79: {  	_ =	shalt  }
0x7a: {  	_ =	shalt  }
0x7b: {  	_ =	shalt  }
0x7c: {  	_ =	shalt  }
0x7d: {  	_ =	shalt  }
0x7e: {  	_ =	shalt  }
0x7f: {  	_ =	shalt  }
0x80: {  	_ =	shalt  }
0x81: {  	_ =	shalt  }
0x82: {  	_ =	shalt  }
0x83: {  	_ =	shalt  }
0x84: {  	_ =	shalt  }
0x85: {  	_ =	shalt  }
0x86: {  	_ =	shalt  }
0x87: {  	_ =	shalt  }
.Lfunc_end0:
.L_simem_size_0:
called_computation_lowered:
.L_overlay_start_0:
0x88: {  	s2 =	sld [smem:$0x3FD9]  }
0x89: {  	s3 =	sld [smem:$0x3FFE];
	_ =	sdelay $0x1  }
0x8a: {  	s1 =	srdreg.scid  }
0x8b: {  	s0 =	sand.u32 $0x1, s1  }
0x8c: {  	s16 =	sshll.u32 s0, $0xA;
	s2 =	sadd.s32 s3, s2  }
0x8d: {  	s2 =	sadd.s32 s2, s16  }
0x8e: {  	[smem:$0x3FBC] =	sst s2  }
0x8f: {  	_ = 	snop  }
0x90: {  	(tm) =	ssettm $0x1  }
0x91: {  	s17 =	sld [smem:$0x3FFB];
	_ =	sdelay $0x3  }
0x92: {  	_ =	strace s17  }
0x93: {  	s2 =	sld [smem:$0x3FFC];
	_ =	sdelay $0x3  }
0x94: {  	_ =	strace s2  }
0x95: {  	s2 =	sld [smem:$0x3FFD];
	_ =	sdelay $0x3  }
0x96: {  	_ =	strace s2  }
0x97: {  	_ =	strace $0x8FFFFFFF  }
0x98: {  	s18 =	sld [smem:$0x3FDB];
	_ =	sdelay $0x1  }
0x99: {  	s19 =	simm.s32 $_scs_section_size  }
0x9a: {  	s4 =	simm.s32 $_size__tile_overlayer_lowered;
	s5 =	simm.s32 $_tile_overlayer_lowered  }
0x9b: {  	s22 =	simm.s32 $0x1BFF;
	s21 =	sshll.u32 s5, $0x1;
	s2 =	sadd.s32 s19, s18  }
0x9c: {  	s6 =	simm.s32 $0x0;
	s20 =	sshll.u32 s4, $0x1;
	s4 =	sadd.s32 s21, s2  }
0x9d: {  	[timem:s6], [sflag:s22] =	dma.local [hbm:s4], s20  }
0x9e: {  	_ =	swait.ge [sflag:s22], s20  }
0x9f: {  	s3 =	ssub.s32 $0x0, s20;
	[sflag:s22] =	ssyncset.done $0x0  }
0xa0: {  	[sflag:s22] =	ssyncadd.s32 s3;
	_ =	sdelay $0x1  }
0xa1: {  	s23 =	simm.s32 $0x1B8B  }
0xa2: {  	_ =	swait.ge [sflag:s23], $0x1  }
0xa3: {  	[sflag:s23] =	ssyncset.done $0x0  }
0xa4: {  	s25 =	simm.s32 $0x1B8E;
	s24 =	sld [smem:$0x3FFE];
	[sflag:s23] =	ssyncadd.s32 $0xFFFFFFFF  }
0xa5: {  	s26 =	simm.s32 $execute0_lowered;
	[smem:$0x3FD2] =	sst s25  }
0xa6: {  	s4 =	sshll.u32 s26, $0x1;
	_ =	strace $0x80000046;
	[dreg:$0x1] =	wrdreg $0xFFFFFFFF  }
0xa7: {  	s28 =	simm.s32 $_size_execute0_lowered;
	s2 =	sadd.s32 s2, s4;
	[dreg:$0x0] =	wrdreg $0x0  }
0xa8: {  	s4 =	sshll.u32 s28, $0x1;
	[dreg:$0x2] =	wrdreg s2  }
0xa9: {  	[dreg:$0x3] =	wrdreg s4  }
0xaa: {  	[dreg:$0x4] =	wrdreg $0xC0  }
0xab: {  	_ =	task [dreg:s6], $0x5FFFF  }
0xac: {  	[dreg:$0x1] =	wrdreg $0xFFFFFFFF  }
0xad: {  	[dreg:$0x0] =	wrdreg $0x60  }
0xae: {  	[dreg:$0x2] =	wrdreg s24  }
0xaf: {  	[dreg:$0x3] =	wrdreg $0x9  }
0xb0: {  	_ =	task.clear_ibuf [dreg:s6], $0x4FFFF;
	_ =	strace $0x90000046  }
0xb1: {  	s29 =	simm.s32 $0x9;
	_ =	strace $0x80000048  }
0xb2: {  	_ =	swait.ge [sflag:s29], $0x1  }
0xb3: {  	[sflag:s29] =	ssyncadd.s32 $0xFFFFFFFF  }
0xb4: {  	_ =	strace $0x90000048  }
0xb5: {  	_ =	sfence  }
0xb6: {  	s30 =	sld [smem:$0x0];
	_ =	sdelay $0x2  }
0xb7: {  	s31 =	sshll.u32 s1, $0xD;
	s1 =	sshrl.u32 s1, $0x2  }
0xb8: {  	s3 =	sand.u32 $0x4000, s31;
	s1 =	sadd.s32 s1, s30  }
0xb9: {  	s0 =	sor.u32 s3, s0;
	s1 =	sshll.u32 s1, $0x11  }
0xba: {  	s0 =	sor.u32 s1, s0  }
0xbb: {  	s0 =	sadd.s32 $0x8F2B, s0  }
0xbc: {  	[sflag:s0] =	ssyncadd.remote.s32 $0x1  }
0xbd: {  	_ =	sfence.sel $0xFFFF  }
0xbe: {  	[dreg:$0x0] =	wrdreg $0xFFFFFFFF;
	(pc) =	sbr.abs _section_cstart, $3  }
0xbf: {  	[dreg:$0x1] =	wrdreg $0xFFFFFFFF  }
0xc0: {  	_ =	task.clear_ibuf [dreg:s6], $0x2FFFF;
	_ =	strace $0x9FFFFFFF  }
0xc1: {  	(tm) =	ssettm $0x7FFFFFFF  }
tec
execute0_lowered:
.L_overlay_start_1:
0x0: {  	(tag) =	ssettag $0x1  }
0x1: {  	s1 =	srdreg.scid;
	s0 =	stileid.u32  }
0x2: {  	s8 =	rddreg [dreg:$0x0];
	s2 =	simm.s32 $0x0;
	s6 =	sand.u32 $0x1, s1  }
0x3: {  	s3 =	sshll.u32 s0, $0xA;
	s1 =	rddreg [dreg:$0x1];
	s4 =	sshll.u32 s6, $0x9  }
0x4: {  	s7 =	simm.s32 $0x1;
	[smem:$0x7FF] =	sst s2;
	s9 =	sor.u32 s4, s3  }
0x5: {  	s5 =	sadd.s32 $0x800, s8;
	_ =	strace $0x80000047;
	s3 =	sshrl.u32 s9, $0x3  }
0x6: {  	s10 =	ssub.s32 $0x2, s6;
	s4 =	sadd.s32 s8, s3;
	s3 =	simm.s32 $0x2  }
0x7: {  	[tilespmem:s2], [sflag:$0x2] =	stream.linear.gather [hbm4b:s4+s2], $0x200, $0x38;
	[tilespmem:$0x10200] =	vst v63  }
0x8: {  	s6 =	simm.s32 $0x200;
	s11 =	sshrl.u32 s10, $0x1;
	_ =	swait.ge [sflag:s3], $0x200  }
0x9: {  	s9 =	sshll.u32 s9, $0x4;
	s31 =	ssub.s32 s10, s11;
	[sflag:s3] =	ssyncset.done $0x0  }
0xa: {  	s8 =	sadd.s32 s9, s8;
	s9 =	smax.u32 s31, $0x1;
	[sflag:s3] =	ssyncadd.s32 $0xFFFFFE00  }
0xb: {  	[tilespmem:s6], [sflag:$0x1] =	stream.indirect.gather [hbm4b:s5+s6], $0x80, s2, s6, $0xb8;
	[tilespmem:$0x10200] =	vst v63  }
0xc: {  	p0 =	sne.s32 s9, $0x1;
	_ =	swait.ge [sflag:s7], $0x10000  }
.Ltmp0:
0xd: {  	[sflag:s7] =	ssyncset.done $0x0;
	(pc) =	sbr.rel @!p0 .LBB2_2-.Ltmp0, $4  }
0xe: {  	s8 =	sadd.s32 $0x40800, s8;
	[sflag:s7] =	ssyncadd.s32 $0xFFFF0000  }
0xf: {  	[hbm4b:s8+s2] =	stream.linear.scatter [tilespmem:s6], [sflag:$0x2], $0x10000, $0x38;
	[tilespmem:$0x10200] =	vst v63  }
0x10: {  	_ =	swait.ge [sflag:s3], $0x10000  }
0x11: {  	s9 =	sadd.s32 $0xFFFFFFFF, s9;
	[sflag:s3] =	ssyncset.done $0x0  }
.LBB2_1:
0x12: {  	p0 =	sne.s32 s9, $0x1;
	s9 =	sadd.s32 $0xFFFFFFFF, s9;
	[sflag:s3] =	ssyncadd.s32 $0xFFFF0000  }
0x13: {  	[tilespmem:s2], [sflag:$0x2] =	stream.linear.gather [hbm4b:s4+s2], $0x200, $0x38;
	[tilespmem:$0x10200] =	vst v63  }
0x14: {  	_ =	swait.ge [sflag:s3], $0x200  }
0x15: {  	[sflag:s3] =	ssyncset.done $0x0  }
0x16: {  	[sflag:s3] =	ssyncadd.s32 $0xFFFFFE00  }
0x17: {  	[tilespmem:s6], [sflag:$0x1] =	stream.indirect.gather [hbm4b:s5+s6], $0x80, s2, s6, $0xb8;
	[tilespmem:$0x10200] =	vst v63  }
0x18: {  	_ =	swait.ge [sflag:s7], $0x10000  }
.Ltmp1:
0x19: {  	[sflag:s7] =	ssyncset.done $0x0;
	(pc) =	sbr.rel @p0 .LBB2_1-.Ltmp1, $4  }
0x1a: {  	[sflag:s7] =	ssyncadd.s32 $0xFFFF0000  }
0x1b: {  	[hbm4b:s8+s2] =	stream.linear.scatter [tilespmem:s6], [sflag:$0x2], $0x10000, $0x38;
	[tilespmem:$0x10200] =	vst v63  }
0x1c: {  	_ =	swait.ge [sflag:s3], $0x10000  }
0x1d: {  	[sflag:s3] =	ssyncset.done $0x0  }
.LBB2_2:
0x1e: {  	[sflag:s3] =	ssyncadd.s32 $0xFFFF0000  }
0x1f: {  	_ =	sfence.sel $0x180000  }
0x20: {  	[bflag:$0x0] =	sbarrier.arrive $0xFFFF  }
0x21: {  	p0 =	sne.s32 s0, $0x0;
	_ =	strace $0x90000047  }
0x22: {  	s0 =	sadd.s32 @!p0 $0x100000, s1;
	[bflag:$0x2] =	sbarrier.arrive $0xFFFF  }
0x23: {  	[sflag:s0] =	ssyncadd.tile.s32 @!p0 $0x1;
	_ =	shalt  }
.Lfunc_end2:
_tile_overlayer_lowered:
.L_overlay_start_2:
0x24: {  	(tag) =	ssettag $0x2  }
0x25: {  	s0 =	rddreg [dreg:$0x0];
	s2 =	stileid.u32  }
0x26: {  	s1 =	rddreg [dreg:$0x1];
	p0 =	sne.s32 s2, $0x0  }
0x27: {  	s3 =	rddreg [dreg:$0x2];
	[bflag:$0x3] =	sbarrier.arrive $0xFFFF;
	s2 =	simm.s32 @!p0 $0x1C02  }
0x28: {  	[timem:s3], [sflag:s2] =	dma.local @!p0 [hbm:s0], s1  }
0x29: {  	s0 =	simm.s32 @!p0 $0x2  }
0x2a: {  	_ =	swait.ge @!p0 [sflag:s0], s1  }
0x2b: {  	s1 =	ssub.s32 @!p0 $0x0, s1;
	[sflag:s0] =	ssyncset.done @!p0 $0x0  }
0x2c: {  	[sflag:s0] =	ssyncadd.s32 @!p0 s1  }
0x2d: {  	[bflag:$0x3] =	sbarrier.arrive $0xFFFF  }
0x2e: {  	_ =	shalt  }

</sc_bundles>
